<compile_context>
chip_gen: v7x
topology: tpu7x:2x2x1
jax: 0.10.2.dev20260603
libtpu: 0.0.44.dev20260713+nightly
codegen_flags: <defaults>
</compile_context>

<pallas_src>
import functools

import jax
import jax.numpy as jnp
from jax import lax
from jax.experimental import pallas as pl
from jax.experimental.pallas import tpu as pltpu
from jax.experimental.pallas import tpu_sc as plsc

_EMBED_DIM = 128
_NUM_CORES = 2
_NUM_SUBCORES = 16
_NUM_WORKERS = _NUM_CORES * _NUM_SUBCORES

_CHUNKS = (80,) * 8
_RUN = 128


def _make_gather(vocab: int, t: int, n: int, dim: int):
    batch = t * n
    b_per_w = batch // _NUM_WORKERS
    assert sum(_CHUNKS) == b_per_w
    offs = [sum(_CHUNKS[:c]) for c in range(len(_CHUNKS))]
    runs = b_per_w // _RUN
    mesh = plsc.VectorSubcoreMesh(core_axis_name="c", subcore_axis_name="s")

    @functools.partial(
        pl.kernel,
        mesh=mesh,
        out_type=jax.ShapeDtypeStruct((batch, dim), jnp.float32),
        scratch_types=[
            pltpu.VMEM((b_per_w,), jnp.int32),
            pltpu.VMEM((b_per_w, dim), jnp.float32),
            pltpu.VMEM_SHARED((vocab, dim), jnp.float32),
        ]
        + [pltpu.SemaphoreType.DMA] * (len(_CHUNKS) + 3),
        compiler_params=pltpu.CompilerParams(use_tc_tiling_on_sc=True),
    )
    def gather(arrt_hbm, table_hbm, out_hbm, idx_v, rows_v, table_sh, *sems):
        gsems, ssem, stsem, isem = (
            sems[: len(_CHUNKS)],
            sems[len(_CHUNKS)],
            sems[len(_CHUNKS) + 1],
            sems[len(_CHUNKS) + 2],
        )
        sid = lax.axis_index("s")
        wid = sid * _NUM_CORES + lax.axis_index("c")
        base = wid * b_per_w

        @pl.when(sid == 0)
        def _stage():
            pltpu.async_copy(table_hbm, table_sh, stsem)

        idx_copies = []
        for r in range(runs):
            p = base + r * _RUN
            idx_copies.append(
                pltpu.async_copy(
                    arrt_hbm.at[p // n, pl.ds(p % n, _RUN)],
                    idx_v.at[pl.ds(r * _RUN, _RUN)],
                    isem,
                )
            )
        for c in idx_copies:
            c.wait()

        gathers = [
            pltpu.async_copy(
                table_hbm.at[idx_v.at[pl.ds(0, _CHUNKS[0])]],
                rows_v.at[pl.ds(0, _CHUNKS[0])],
                gsems[0],
            )
        ]

        @pl.when(sid == 0)
        def _stage_wait():
            pltpu.make_async_copy(table_hbm, table_sh, stsem).wait()

        plsc.subcore_barrier()

        gathers += [
            pltpu.async_copy(
                table_sh.at[idx_v.at[pl.ds(offs[c], _CHUNKS[c])]],
                rows_v.at[pl.ds(offs[c], _CHUNKS[c])],
                gsems[c],
            )
            for c in range(1, len(_CHUNKS))
        ]
        scatters = []
        for c in range(len(_CHUNKS)):
            gathers[c].wait()
            scatters.append(
                pltpu.async_copy(
                    rows_v.at[pl.ds(offs[c], _CHUNKS[c])],
                    out_hbm.at[pl.ds(base + offs[c], _CHUNKS[c])],
                    ssem,
                )
            )
        for s in scatters:
            s.wait()

    return gather


def kernel(arr, W_s):
    n, t = arr.shape
    idx2d = arr.T.astype(jnp.int32)
    out = _make_gather(W_s.shape[0], t, n, _EMBED_DIM)(idx2d, W_s)
    return out.reshape(t, n, _EMBED_DIM).transpose(1, 0, 2)

# --- scband reference (transcript-rebuilt; emitter-appended) ---
"""Pipeline reference for scband-embed-token-13864154431838 (READ-ONLY COPY).

The authoritative reference and input builder live on the scoring server;
editing this copy changes nothing except your own understanding.
"""

import jax, jax.numpy as jnp
import numpy as np

VOCAB_SIZE = 1000
EMBED_DIM = 128


def setup_inputs(seed: int = 0) -> dict:
    key = jax.random.key(seed)
    k_arr, k_w = jax.random.split(key)
    arr = jax.random.randint(k_arr, (1024, 20), 0, VOCAB_SIZE, dtype=jnp.int64 if jax.config.jax_enable_x64 else jnp.int32)
    # Truncated normal init (matches hk.initializers.TruncatedNormal with stddev=1)
    W_s = jax.random.truncated_normal(k_w, -2.0, 2.0, (VOCAB_SIZE, EMBED_DIM), dtype=jnp.float32)
    return {"arr": arr, "W_s": W_s}


def reference(arr, W_s):
    # Faithful translation of EmbedToken.__call__:
    # integer input -> one-hot, then tensordot with embedding table.
    if jnp.issubdtype(arr.dtype, jnp.integer):
        one_hot = jax.nn.one_hot(arr, VOCAB_SIZE)
    else:
        one_hot = arr
    return jnp.tensordot(one_hot, W_s, 1)

if __name__ == "__main__":
    import jax
    _d = setup_inputs()
    print(jax.jit(kernel)(*tuple(_d.values())))

</pallas_src>

<mosaic_0001>
#map = affine_map<(d0, d1) -> (0, 0)>
module attributes {stable_mosaic.version = 14 : i64} {
  func.func @gather(%arg0: i32, %arg1: i32, %arg2: memref<20x1024xi32, #tpu.memory_space<hbm>>, %arg3: memref<1000x128xf32, #tpu.memory_space<hbm>>, %arg4: memref<20480x128xf32, #tpu.memory_space<hbm>>, %arg5: memref<640xi32, #tpu.memory_space<vmem>>, %arg6: memref<640x128xf32, #tpu.memory_space<vmem>>, %arg7: memref<1000x128xf32, #tpu.memory_space<vmem_shared>>, %arg8: memref<!tpu.dma_semaphore, #tpu.memory_space<semaphore_mem>>, %arg9: memref<!tpu.dma_semaphore, #tpu.memory_space<semaphore_mem>>, %arg10: memref<!tpu.dma_semaphore, #tpu.memory_space<semaphore_mem>>, %arg11: memref<!tpu.dma_semaphore, #tpu.memory_space<semaphore_mem>>, %arg12: memref<!tpu.dma_semaphore, #tpu.memory_space<semaphore_mem>>, %arg13: memref<!tpu.dma_semaphore, #tpu.memory_space<semaphore_mem>>, %arg14: memref<!tpu.dma_semaphore, #tpu.memory_space<semaphore_mem>>, %arg15: memref<!tpu.dma_semaphore, #tpu.memory_space<semaphore_mem>>, %arg16: memref<!tpu.dma_semaphore, #tpu.memory_space<semaphore_mem>>, %arg17: memref<!tpu.dma_semaphore, #tpu.memory_space<semaphore_mem>>, %arg18: memref<!tpu.dma_semaphore, #tpu.memory_space<semaphore_mem>>) attributes {dimension_semantics = [#tpu.dimension_semantics<core_parallel>, #tpu.dimension_semantics<subcore_parallel>], iteration_bounds = array<i64: 2, 16>, scalar_prefetch = 0 : i64, scratch_operands = 14 : i64, tpu.core_type = #tpu.core_type<sc_vector_subcore>, window_params = [{transform_indices = #map}, {transform_indices = #map}, {transform_indices = #map}]} {
    %mul3A = arith.constant 2 : i32
    %mul3A_0 = arith.muli %arg1, %mul3A : i32
    %add3A = arith.addi %mul3A_0, %arg0 : i32
    %mul3A_1 = arith.constant 640 : i32
    %mul3A_2 = arith.muli %add3A, %mul3A_1 : i32
    %eq3A = arith.constant 0 : i32
    %eq3A_3 = arith.cmpi eq, %arg1, %eq3A : i32
    %convert_element_type3A = arith.extui %eq3A_3 : i1 to i32
    %cond3A = arith.constant 0 : i32
    %cond3A_4 = arith.cmpi ne, %convert_element_type3A, %cond3A : i32
    scf.if %cond3A_4 {
      tpu.enqueue_dma source(%arg3 : memref<1000x128xf32, #tpu.memory_space<hbm>>) target(%arg7 : memref<1000x128xf32, #tpu.memory_space<vmem_shared>>) target_semaphore(%arg17 : memref<!tpu.dma_semaphore, #tpu.memory_space<semaphore_mem>>)
    } else {
    }
    %add3A_5 = arith.constant 0 : i32
    %add3A_6 = arith.addi %mul3A_2, %add3A_5 : i32
    %jit3A = arith.constant 1024 : i32
    %div3A = arith.divsi %add3A_6, %jit3A : i32
    %sign3A = arith.constant 0 : i32
    %sign3A_7 = arith.cmpi sgt, %add3A_6, %sign3A : i32
    %sign3A_8 = arith.extui %sign3A_7 : i1 to i32
    %sign3A_9 = arith.constant 0 : i32
    %sign3A_10 = arith.cmpi slt, %add3A_6, %sign3A_9 : i32
    %sign3A_11 = arith.extui %sign3A_10 : i1 to i32
    %sign3A_12 = arith.subi %sign3A_8, %sign3A_11 : i32
    %sign3A_13 = arith.constant 0 : i32
    %sign3A_14 = arith.cmpi sgt, %jit3A, %sign3A_13 : i32
    %sign3A_15 = arith.extui %sign3A_14 : i1 to i32
    %sign3A_16 = arith.constant 0 : i32
    %sign3A_17 = arith.cmpi slt, %jit3A, %sign3A_16 : i32
    %sign3A_18 = arith.extui %sign3A_17 : i1 to i32
    %sign3A_19 = arith.subi %sign3A_15, %sign3A_18 : i32
    %ne3A = arith.cmpi ne, %sign3A_12, %sign3A_19 : i32
    %rem3A = arith.remsi %add3A_6, %jit3A : i32
    %ne3A_20 = arith.constant 0 : i32
    %ne3A_21 = arith.cmpi ne, %rem3A, %ne3A_20 : i32
    %and3A = arith.andi %ne3A, %ne3A_21 : i1
    %sub3A = arith.constant 1 : i32
    %sub3A_22 = arith.subi %div3A, %sub3A : i32
    %select_n3A = arith.select %and3A, %sub3A_22, %div3A : i32
    %jit3A_23 = arith.constant 1024 : i32
    %eq3A_24 = arith.constant 0 : i32
    %eq3A_25 = arith.cmpi eq, %jit3A_23, %eq3A_24 : i32
    %jit3A_26 = arith.constant 1 : i32
    %select_n3A_27 = arith.select %eq3A_25, %jit3A_26, %jit3A_23 : i32
    %rem3A_28 = arith.remsi %add3A_6, %select_n3A_27 : i32
    %ne3A_29 = arith.constant 0 : i32
    %ne3A_30 = arith.cmpi ne, %rem3A_28, %ne3A_29 : i32
    %lt3A = arith.constant 0 : i32
    %lt3A_31 = arith.cmpi slt, %rem3A_28, %lt3A : i32
    %lt3A_32 = arith.constant 0 : i32
    %lt3A_33 = arith.cmpi slt, %select_n3A_27, %lt3A_32 : i32
    %ne3A_34 = arith.xori %lt3A_31, %lt3A_33 : i1
    %and3A_35 = arith.andi %ne3A_34, %ne3A_30 : i1
    %add3A_36 = arith.addi %rem3A_28, %select_n3A_27 : i32
    %select_n3A_37 = arith.select %and3A_35, %add3A_36, %rem3A_28 : i32
    %dma_start3A = arith.constant 0 : i32
    %dma_start3A_38 = tpu.memref_slice %arg5[%dma_start3A] : memref<640xi32, #tpu.memory_space<vmem>> -> memref<128xi32, #tpu.memory_space<vmem>>
    %dma_start3A_39 = tpu.memref_slice %arg2[%select_n3A, %select_n3A_37] : memref<20x1024xi32, #tpu.memory_space<hbm>> -> memref<1x128xi32, #tpu.memory_space<hbm>>
    %dma_start3A_40 = tpu.memref_squeeze %dma_start3A_39 : memref<1x128xi32, #tpu.memory_space<hbm>> -> memref<128xi32, #tpu.memory_space<hbm>>
    %dma_start3A_41 = arith.constant 0 : i32
    %dma_start3A_42 = tpu.memref_slice %arg5[%dma_start3A_41] : memref<640xi32, #tpu.memory_space<vmem>> -> memref<128xi32, #tpu.memory_space<vmem>>
    %dma_start3A_43 = tpu.memref_slice %arg2[%select_n3A, %select_n3A_37] : memref<20x1024xi32, #tpu.memory_space<hbm>> -> memref<1x128xi32, #tpu.memory_space<hbm>>
    %dma_start3A_44 = tpu.memref_squeeze %dma_start3A_43 : memref<1x128xi32, #tpu.memory_space<hbm>> -> memref<128xi32, #tpu.memory_space<hbm>>
    tpu.enqueue_dma source(%dma_start3A_44 : memref<128xi32, #tpu.memory_space<hbm>>) target(%dma_start3A_42 : memref<128xi32, #tpu.memory_space<vmem>>) target_semaphore(%arg18 : memref<!tpu.dma_semaphore, #tpu.memory_space<semaphore_mem>>)
    %add3A_45 = arith.constant 128 : i32
    %add3A_46 = arith.addi %mul3A_2, %add3A_45 : i32
    %jit3A_47 = arith.constant 1024 : i32
    %div3A_48 = arith.divsi %add3A_46, %jit3A_47 : i32
    %sign3A_49 = arith.constant 0 : i32
    %sign3A_50 = arith.cmpi sgt, %add3A_46, %sign3A_49 : i32
    %sign3A_51 = arith.extui %sign3A_50 : i1 to i32
    %sign3A_52 = arith.constant 0 : i32
    %sign3A_53 = arith.cmpi slt, %add3A_46, %sign3A_52 : i32
    %sign3A_54 = arith.extui %sign3A_53 : i1 to i32
    %sign3A_55 = arith.subi %sign3A_51, %sign3A_54 : i32
    %sign3A_56 = arith.constant 0 : i32
    %sign3A_57 = arith.cmpi sgt, %jit3A_47, %sign3A_56 : i32
    %sign3A_58 = arith.extui %sign3A_57 : i1 to i32
    %sign3A_59 = arith.constant 0 : i32
    %sign3A_60 = arith.cmpi slt, %jit3A_47, %sign3A_59 : i32
    %sign3A_61 = arith.extui %sign3A_60 : i1 to i32
    %sign3A_62 = arith.subi %sign3A_58, %sign3A_61 : i32
    %ne3A_63 = arith.cmpi ne, %sign3A_55, %sign3A_62 : i32
    %rem3A_64 = arith.remsi %add3A_46, %jit3A_47 : i32
    %ne3A_65 = arith.constant 0 : i32
    %ne3A_66 = arith.cmpi ne, %rem3A_64, %ne3A_65 : i32
    %and3A_67 = arith.andi %ne3A_63, %ne3A_66 : i1
    %sub3A_68 = arith.constant 1 : i32
    %sub3A_69 = arith.subi %div3A_48, %sub3A_68 : i32
    %select_n3A_70 = arith.select %and3A_67, %sub3A_69, %div3A_48 : i32
    %jit3A_71 = arith.constant 1024 : i32
    %eq3A_72 = arith.constant 0 : i32
    %eq3A_73 = arith.cmpi eq, %jit3A_71, %eq3A_72 : i32
    %jit3A_74 = arith.constant 1 : i32
    %select_n3A_75 = arith.select %eq3A_73, %jit3A_74, %jit3A_71 : i32
    %rem3A_76 = arith.remsi %add3A_46, %select_n3A_75 : i32
    %ne3A_77 = arith.constant 0 : i32
    %ne3A_78 = arith.cmpi ne, %rem3A_76, %ne3A_77 : i32
    %lt3A_79 = arith.constant 0 : i32
    %lt3A_80 = arith.cmpi slt, %rem3A_76, %lt3A_79 : i32
    %lt3A_81 = arith.constant 0 : i32
    %lt3A_82 = arith.cmpi slt, %select_n3A_75, %lt3A_81 : i32
    %ne3A_83 = arith.xori %lt3A_80, %lt3A_82 : i1
    %and3A_84 = arith.andi %ne3A_83, %ne3A_78 : i1
    %add3A_85 = arith.addi %rem3A_76, %select_n3A_75 : i32
    %select_n3A_86 = arith.select %and3A_84, %add3A_85, %rem3A_76 : i32
    %dma_start3A_87 = arith.constant 128 : i32
    %dma_start3A_88 = tpu.memref_slice %arg5[%dma_start3A_87] : memref<640xi32, #tpu.memory_space<vmem>> -> memref<128xi32, #tpu.memory_space<vmem>>
    %dma_start3A_89 = tpu.memref_slice %arg2[%select_n3A_70, %select_n3A_86] : memref<20x1024xi32, #tpu.memory_space<hbm>> -> memref<1x128xi32, #tpu.memory_space<hbm>>
    %dma_start3A_90 = tpu.memref_squeeze %dma_start3A_89 : memref<1x128xi32, #tpu.memory_space<hbm>> -> memref<128xi32, #tpu.memory_space<hbm>>
    %dma_start3A_91 = arith.constant 128 : i32
    %dma_start3A_92 = tpu.memref_slice %arg5[%dma_start3A_91] : memref<640xi32, #tpu.memory_space<vmem>> -> memref<128xi32, #tpu.memory_space<vmem>>
    %dma_start3A_93 = tpu.memref_slice %arg2[%select_n3A_70, %select_n3A_86] : memref<20x1024xi32, #tpu.memory_space<hbm>> -> memref<1x128xi32, #tpu.memory_space<hbm>>
    %dma_start3A_94 = tpu.memref_squeeze %dma_start3A_93 : memref<1x128xi32, #tpu.memory_space<hbm>> -> memref<128xi32, #tpu.memory_space<hbm>>
    tpu.enqueue_dma source(%dma_start3A_94 : memref<128xi32, #tpu.memory_space<hbm>>) target(%dma_start3A_92 : memref<128xi32, #tpu.memory_space<vmem>>) target_semaphore(%arg18 : memref<!tpu.dma_semaphore, #tpu.memory_space<semaphore_mem>>)
    %add3A_95 = arith.constant 256 : i32
    %add3A_96 = arith.addi %mul3A_2, %add3A_95 : i32
    %jit3A_97 = arith.constant 1024 : i32
    %div3A_98 = arith.divsi %add3A_96, %jit3A_97 : i32
    %sign3A_99 = arith.constant 0 : i32
    %sign3A_100 = arith.cmpi sgt, %add3A_96, %sign3A_99 : i32
    %sign3A_101 = arith.extui %sign3A_100 : i1 to i32
    %sign3A_102 = arith.constant 0 : i32
    %sign3A_103 = arith.cmpi slt, %add3A_96, %sign3A_102 : i32
    %sign3A_104 = arith.extui %sign3A_103 : i1 to i32
    %sign3A_105 = arith.subi %sign3A_101, %sign3A_104 : i32
    %sign3A_106 = arith.constant 0 : i32
    %sign3A_107 = arith.cmpi sgt, %jit3A_97, %sign3A_106 : i32
    %sign3A_108 = arith.extui %sign3A_107 : i1 to i32
    %sign3A_109 = arith.constant 0 : i32
    %sign3A_110 = arith.cmpi slt, %jit3A_97, %sign3A_109 : i32
    %sign3A_111 = arith.extui %sign3A_110 : i1 to i32
    %sign3A_112 = arith.subi %sign3A_108, %sign3A_111 : i32
    %ne3A_113 = arith.cmpi ne, %sign3A_105, %sign3A_112 : i32
    %rem3A_114 = arith.remsi %add3A_96, %jit3A_97 : i32
    %ne3A_115 = arith.constant 0 : i32
    %ne3A_116 = arith.cmpi ne, %rem3A_114, %ne3A_115 : i32
    %and3A_117 = arith.andi %ne3A_113, %ne3A_116 : i1
    %sub3A_118 = arith.constant 1 : i32
    %sub3A_119 = arith.subi %div3A_98, %sub3A_118 : i32
    %select_n3A_120 = arith.select %and3A_117, %sub3A_119, %div3A_98 : i32
    %jit3A_121 = arith.constant 1024 : i32
    %eq3A_122 = arith.constant 0 : i32
    %eq3A_123 = arith.cmpi eq, %jit3A_121, %eq3A_122 : i32
    %jit3A_124 = arith.constant 1 : i32
    %select_n3A_125 = arith.select %eq3A_123, %jit3A_124, %jit3A_121 : i32
    %rem3A_126 = arith.remsi %add3A_96, %select_n3A_125 : i32
    %ne3A_127 = arith.constant 0 : i32
    %ne3A_128 = arith.cmpi ne, %rem3A_126, %ne3A_127 : i32
    %lt3A_129 = arith.constant 0 : i32
    %lt3A_130 = arith.cmpi slt, %rem3A_126, %lt3A_129 : i32
    %lt3A_131 = arith.constant 0 : i32
    %lt3A_132 = arith.cmpi slt, %select_n3A_125, %lt3A_131 : i32
    %ne3A_133 = arith.xori %lt3A_130, %lt3A_132 : i1
    %and3A_134 = arith.andi %ne3A_133, %ne3A_128 : i1
    %add3A_135 = arith.addi %rem3A_126, %select_n3A_125 : i32
    %select_n3A_136 = arith.select %and3A_134, %add3A_135, %rem3A_126 : i32
    %dma_start3A_137 = arith.constant 256 : i32
    %dma_start3A_138 = tpu.memref_slice %arg5[%dma_start3A_137] : memref<640xi32, #tpu.memory_space<vmem>> -> memref<128xi32, #tpu.memory_space<vmem>>
    %dma_start3A_139 = tpu.memref_slice %arg2[%select_n3A_120, %select_n3A_136] : memref<20x1024xi32, #tpu.memory_space<hbm>> -> memref<1x128xi32, #tpu.memory_space<hbm>>
    %dma_start3A_140 = tpu.memref_squeeze %dma_start3A_139 : memref<1x128xi32, #tpu.memory_space<hbm>> -> memref<128xi32, #tpu.memory_space<hbm>>
    %dma_start3A_141 = arith.constant 256 : i32
    %dma_start3A_142 = tpu.memref_slice %arg5[%dma_start3A_141] : memref<640xi32, #tpu.memory_space<vmem>> -> memref<128xi32, #tpu.memory_space<vmem>>
    %dma_start3A_143 = tpu.memref_slice %arg2[%select_n3A_120, %select_n3A_136] : memref<20x1024xi32, #tpu.memory_space<hbm>> -> memref<1x128xi32, #tpu.memory_space<hbm>>
    %dma_start3A_144 = tpu.memref_squeeze %dma_start3A_143 : memref<1x128xi32, #tpu.memory_space<hbm>> -> memref<128xi32, #tpu.memory_space<hbm>>
    tpu.enqueue_dma source(%dma_start3A_144 : memref<128xi32, #tpu.memory_space<hbm>>) target(%dma_start3A_142 : memref<128xi32, #tpu.memory_space<vmem>>) target_semaphore(%arg18 : memref<!tpu.dma_semaphore, #tpu.memory_space<semaphore_mem>>)
    %add3A_145 = arith.constant 384 : i32
    %add3A_146 = arith.addi %mul3A_2, %add3A_145 : i32
    %jit3A_147 = arith.constant 1024 : i32
    %div3A_148 = arith.divsi %add3A_146, %jit3A_147 : i32
    %sign3A_149 = arith.constant 0 : i32
    %sign3A_150 = arith.cmpi sgt, %add3A_146, %sign3A_149 : i32
    %sign3A_151 = arith.extui %sign3A_150 : i1 to i32
    %sign3A_152 = arith.constant 0 : i32
    %sign3A_153 = arith.cmpi slt, %add3A_146, %sign3A_152 : i32
    %sign3A_154 = arith.extui %sign3A_153 : i1 to i32
    %sign3A_155 = arith.subi %sign3A_151, %sign3A_154 : i32
    %sign3A_156 = arith.constant 0 : i32
    %sign3A_157 = arith.cmpi sgt, %jit3A_147, %sign3A_156 : i32
    %sign3A_158 = arith.extui %sign3A_157 : i1 to i32
    %sign3A_159 = arith.constant 0 : i32
    %sign3A_160 = arith.cmpi slt, %jit3A_147, %sign3A_159 : i32
    %sign3A_161 = arith.extui %sign3A_160 : i1 to i32
    %sign3A_162 = arith.subi %sign3A_158, %sign3A_161 : i32
    %ne3A_163 = arith.cmpi ne, %sign3A_155, %sign3A_162 : i32
    %rem3A_164 = arith.remsi %add3A_146, %jit3A_147 : i32
    %ne3A_165 = arith.constant 0 : i32
    %ne3A_166 = arith.cmpi ne, %rem3A_164, %ne3A_165 : i32
    %and3A_167 = arith.andi %ne3A_163, %ne3A_166 : i1
    %sub3A_168 = arith.constant 1 : i32
    %sub3A_169 = arith.subi %div3A_148, %sub3A_168 : i32
    %select_n3A_170 = arith.select %and3A_167, %sub3A_169, %div3A_148 : i32
    %jit3A_171 = arith.constant 1024 : i32
    %eq3A_172 = arith.constant 0 : i32
    %eq3A_173 = arith.cmpi eq, %jit3A_171, %eq3A_172 : i32
    %jit3A_174 = arith.constant 1 : i32
    %select_n3A_175 = arith.select %eq3A_173, %jit3A_174, %jit3A_171 : i32
    %rem3A_176 = arith.remsi %add3A_146, %select_n3A_175 : i32
    %ne3A_177 = arith.constant 0 : i32
    %ne3A_178 = arith.cmpi ne, %rem3A_176, %ne3A_177 : i32
    %lt3A_179 = arith.constant 0 : i32
    %lt3A_180 = arith.cmpi slt, %rem3A_176, %lt3A_179 : i32
    %lt3A_181 = arith.constant 0 : i32
    %lt3A_182 = arith.cmpi slt, %select_n3A_175, %lt3A_181 : i32
    %ne3A_183 = arith.xori %lt3A_180, %lt3A_182 : i1
    %and3A_184 = arith.andi %ne3A_183, %ne3A_178 : i1
    %add3A_185 = arith.addi %rem3A_176, %select_n3A_175 : i32
    %select_n3A_186 = arith.select %and3A_184, %add3A_185, %rem3A_176 : i32
    %dma_start3A_187 = arith.constant 384 : i32
    %dma_start3A_188 = tpu.memref_slice %arg5[%dma_start3A_187] : memref<640xi32, #tpu.memory_space<vmem>> -> memref<128xi32, #tpu.memory_space<vmem>>
    %dma_start3A_189 = tpu.memref_slice %arg2[%select_n3A_170, %select_n3A_186] : memref<20x1024xi32, #tpu.memory_space<hbm>> -> memref<1x128xi32, #tpu.memory_space<hbm>>
    %dma_start3A_190 = tpu.memref_squeeze %dma_start3A_189 : memref<1x128xi32, #tpu.memory_space<hbm>> -> memref<128xi32, #tpu.memory_space<hbm>>
    %dma_start3A_191 = arith.constant 384 : i32
    %dma_start3A_192 = tpu.memref_slice %arg5[%dma_start3A_191] : memref<640xi32, #tpu.memory_space<vmem>> -> memref<128xi32, #tpu.memory_space<vmem>>
    %dma_start3A_193 = tpu.memref_slice %arg2[%select_n3A_170, %select_n3A_186] : memref<20x1024xi32, #tpu.memory_space<hbm>> -> memref<1x128xi32, #tpu.memory_space<hbm>>
    %dma_start3A_194 = tpu.memref_squeeze %dma_start3A_193 : memref<1x128xi32, #tpu.memory_space<hbm>> -> memref<128xi32, #tpu.memory_space<hbm>>
    tpu.enqueue_dma source(%dma_start3A_194 : memref<128xi32, #tpu.memory_space<hbm>>) target(%dma_start3A_192 : memref<128xi32, #tpu.memory_space<vmem>>) target_semaphore(%arg18 : memref<!tpu.dma_semaphore, #tpu.memory_space<semaphore_mem>>)
    %add3A_195 = arith.constant 512 : i32
    %add3A_196 = arith.addi %mul3A_2, %add3A_195 : i32
    %jit3A_197 = arith.constant 1024 : i32
    %div3A_198 = arith.divsi %add3A_196, %jit3A_197 : i32
    %sign3A_199 = arith.constant 0 : i32
    %sign3A_200 = arith.cmpi sgt, %add3A_196, %sign3A_199 : i32
    %sign3A_201 = arith.extui %sign3A_200 : i1 to i32
    %sign3A_202 = arith.constant 0 : i32
    %sign3A_203 = arith.cmpi slt, %add3A_196, %sign3A_202 : i32
    %sign3A_204 = arith.extui %sign3A_203 : i1 to i32
    %sign3A_205 = arith.subi %sign3A_201, %sign3A_204 : i32
    %sign3A_206 = arith.constant 0 : i32
    %sign3A_207 = arith.cmpi sgt, %jit3A_197, %sign3A_206 : i32
    %sign3A_208 = arith.extui %sign3A_207 : i1 to i32
    %sign3A_209 = arith.constant 0 : i32
    %sign3A_210 = arith.cmpi slt, %jit3A_197, %sign3A_209 : i32
    %sign3A_211 = arith.extui %sign3A_210 : i1 to i32
    %sign3A_212 = arith.subi %sign3A_208, %sign3A_211 : i32
    %ne3A_213 = arith.cmpi ne, %sign3A_205, %sign3A_212 : i32
    %rem3A_214 = arith.remsi %add3A_196, %jit3A_197 : i32
    %ne3A_215 = arith.constant 0 : i32
    %ne3A_216 = arith.cmpi ne, %rem3A_214, %ne3A_215 : i32
    %and3A_217 = arith.andi %ne3A_213, %ne3A_216 : i1
    %sub3A_218 = arith.constant 1 : i32
    %sub3A_219 = arith.subi %div3A_198, %sub3A_218 : i32
    %select_n3A_220 = arith.select %and3A_217, %sub3A_219, %div3A_198 : i32
    %jit3A_221 = arith.constant 1024 : i32
    %eq3A_222 = arith.constant 0 : i32
    %eq3A_223 = arith.cmpi eq, %jit3A_221, %eq3A_222 : i32
    %jit3A_224 = arith.constant 1 : i32
    %select_n3A_225 = arith.select %eq3A_223, %jit3A_224, %jit3A_221 : i32
    %rem3A_226 = arith.remsi %add3A_196, %select_n3A_225 : i32
    %ne3A_227 = arith.constant 0 : i32
    %ne3A_228 = arith.cmpi ne, %rem3A_226, %ne3A_227 : i32
    %lt3A_229 = arith.constant 0 : i32
    %lt3A_230 = arith.cmpi slt, %rem3A_226, %lt3A_229 : i32
    %lt3A_231 = arith.constant 0 : i32
    %lt3A_232 = arith.cmpi slt, %select_n3A_225, %lt3A_231 : i32
    %ne3A_233 = arith.xori %lt3A_230, %lt3A_232 : i1
    %and3A_234 = arith.andi %ne3A_233, %ne3A_228 : i1
    %add3A_235 = arith.addi %rem3A_226, %select_n3A_225 : i32
    %select_n3A_236 = arith.select %and3A_234, %add3A_235, %rem3A_226 : i32
    %dma_start3A_237 = arith.constant 512 : i32
    %dma_start3A_238 = tpu.memref_slice %arg5[%dma_start3A_237] : memref<640xi32, #tpu.memory_space<vmem>> -> memref<128xi32, #tpu.memory_space<vmem>>
    %dma_start3A_239 = tpu.memref_slice %arg2[%select_n3A_220, %select_n3A_236] : memref<20x1024xi32, #tpu.memory_space<hbm>> -> memref<1x128xi32, #tpu.memory_space<hbm>>
    %dma_start3A_240 = tpu.memref_squeeze %dma_start3A_239 : memref<1x128xi32, #tpu.memory_space<hbm>> -> memref<128xi32, #tpu.memory_space<hbm>>
    %dma_start3A_241 = arith.constant 512 : i32
    %dma_start3A_242 = tpu.memref_slice %arg5[%dma_start3A_241] : memref<640xi32, #tpu.memory_space<vmem>> -> memref<128xi32, #tpu.memory_space<vmem>>
    %dma_start3A_243 = tpu.memref_slice %arg2[%select_n3A_220, %select_n3A_236] : memref<20x1024xi32, #tpu.memory_space<hbm>> -> memref<1x128xi32, #tpu.memory_space<hbm>>
    %dma_start3A_244 = tpu.memref_squeeze %dma_start3A_243 : memref<1x128xi32, #tpu.memory_space<hbm>> -> memref<128xi32, #tpu.memory_space<hbm>>
    tpu.enqueue_dma source(%dma_start3A_244 : memref<128xi32, #tpu.memory_space<hbm>>) target(%dma_start3A_242 : memref<128xi32, #tpu.memory_space<vmem>>) target_semaphore(%arg18 : memref<!tpu.dma_semaphore, #tpu.memory_space<semaphore_mem>>)
    %dma_wait3A = arith.constant 0 : i32
    %dma_wait3A_245 = tpu.memref_slice %arg5[%dma_wait3A] : memref<640xi32, #tpu.memory_space<vmem>> -> memref<128xi32, #tpu.memory_space<vmem>>
    %dma_wait3A_246 = tpu.memref_slice %arg2[%select_n3A, %select_n3A_37] : memref<20x1024xi32, #tpu.memory_space<hbm>> -> memref<1x128xi32, #tpu.memory_space<hbm>>
    %dma_wait3A_247 = tpu.memref_squeeze %dma_wait3A_246 : memref<1x128xi32, #tpu.memory_space<hbm>> -> memref<128xi32, #tpu.memory_space<hbm>>
    %dma_wait3A_248 = arith.constant 0 : i32
    %dma_wait3A_249 = tpu.memref_slice %arg5[%dma_wait3A_248] : memref<640xi32, #tpu.memory_space<vmem>> -> memref<128xi32, #tpu.memory_space<vmem>>
    %dma_wait3A_250 = tpu.memref_slice %arg2[%select_n3A, %select_n3A_37] : memref<20x1024xi32, #tpu.memory_space<hbm>> -> memref<1x128xi32, #tpu.memory_space<hbm>>
    %dma_wait3A_251 = tpu.memref_squeeze %dma_wait3A_250 : memref<1x128xi32, #tpu.memory_space<hbm>> -> memref<128xi32, #tpu.memory_space<hbm>>
    tpu.wait_dma2 semaphore(%arg18 : memref<!tpu.dma_semaphore, #tpu.memory_space<semaphore_mem>>) src(%dma_wait3A_251 : memref<128xi32, #tpu.memory_space<hbm>>) dst(%dma_wait3A_249 : memref<128xi32, #tpu.memory_space<vmem>>)
    %dma_wait3A_252 = arith.constant 128 : i32
    %dma_wait3A_253 = tpu.memref_slice %arg5[%dma_wait3A_252] : memref<640xi32, #tpu.memory_space<vmem>> -> memref<128xi32, #tpu.memory_space<vmem>>
    %dma_wait3A_254 = tpu.memref_slice %arg2[%select_n3A_70, %select_n3A_86] : memref<20x1024xi32, #tpu.memory_space<hbm>> -> memref<1x128xi32, #tpu.memory_space<hbm>>
    %dma_wait3A_255 = tpu.memref_squeeze %dma_wait3A_254 : memref<1x128xi32, #tpu.memory_space<hbm>> -> memref<128xi32, #tpu.memory_space<hbm>>
    %dma_wait3A_256 = arith.constant 128 : i32
    %dma_wait3A_257 = tpu.memref_slice %arg5[%dma_wait3A_256] : memref<640xi32, #tpu.memory_space<vmem>> -> memref<128xi32, #tpu.memory_space<vmem>>
    %dma_wait3A_258 = tpu.memref_slice %arg2[%select_n3A_70, %select_n3A_86] : memref<20x1024xi32, #tpu.memory_space<hbm>> -> memref<1x128xi32, #tpu.memory_space<hbm>>
    %dma_wait3A_259 = tpu.memref_squeeze %dma_wait3A_258 : memref<1x128xi32, #tpu.memory_space<hbm>> -> memref<128xi32, #tpu.memory_space<hbm>>
    tpu.wait_dma2 semaphore(%arg18 : memref<!tpu.dma_semaphore, #tpu.memory_space<semaphore_mem>>) src(%dma_wait3A_259 : memref<128xi32, #tpu.memory_space<hbm>>) dst(%dma_wait3A_257 : memref<128xi32, #tpu.memory_space<vmem>>)
    %dma_wait3A_260 = arith.constant 256 : i32
    %dma_wait3A_261 = tpu.memref_slice %arg5[%dma_wait3A_260] : memref<640xi32, #tpu.memory_space<vmem>> -> memref<128xi32, #tpu.memory_space<vmem>>
    %dma_wait3A_262 = tpu.memref_slice %arg2[%select_n3A_120, %select_n3A_136] : memref<20x1024xi32, #tpu.memory_space<hbm>> -> memref<1x128xi32, #tpu.memory_space<hbm>>
    %dma_wait3A_263 = tpu.memref_squeeze %dma_wait3A_262 : memref<1x128xi32, #tpu.memory_space<hbm>> -> memref<128xi32, #tpu.memory_space<hbm>>
    %dma_wait3A_264 = arith.constant 256 : i32
    %dma_wait3A_265 = tpu.memref_slice %arg5[%dma_wait3A_264] : memref<640xi32, #tpu.memory_space<vmem>> -> memref<128xi32, #tpu.memory_space<vmem>>
    %dma_wait3A_266 = tpu.memref_slice %arg2[%select_n3A_120, %select_n3A_136] : memref<20x1024xi32, #tpu.memory_space<hbm>> -> memref<1x128xi32, #tpu.memory_space<hbm>>
    %dma_wait3A_267 = tpu.memref_squeeze %dma_wait3A_266 : memref<1x128xi32, #tpu.memory_space<hbm>> -> memref<128xi32, #tpu.memory_space<hbm>>
    tpu.wait_dma2 semaphore(%arg18 : memref<!tpu.dma_semaphore, #tpu.memory_space<semaphore_mem>>) src(%dma_wait3A_267 : memref<128xi32, #tpu.memory_space<hbm>>) dst(%dma_wait3A_265 : memref<128xi32, #tpu.memory_space<vmem>>)
    %dma_wait3A_268 = arith.constant 384 : i32
    %dma_wait3A_269 = tpu.memref_slice %arg5[%dma_wait3A_268] : memref<640xi32, #tpu.memory_space<vmem>> -> memref<128xi32, #tpu.memory_space<vmem>>
    %dma_wait3A_270 = tpu.memref_slice %arg2[%select_n3A_170, %select_n3A_186] : memref<20x1024xi32, #tpu.memory_space<hbm>> -> memref<1x128xi32, #tpu.memory_space<hbm>>
    %dma_wait3A_271 = tpu.memref_squeeze %dma_wait3A_270 : memref<1x128xi32, #tpu.memory_space<hbm>> -> memref<128xi32, #tpu.memory_space<hbm>>
    %dma_wait3A_272 = arith.constant 384 : i32
    %dma_wait3A_273 = tpu.memref_slice %arg5[%dma_wait3A_272] : memref<640xi32, #tpu.memory_space<vmem>> -> memref<128xi32, #tpu.memory_space<vmem>>
    %dma_wait3A_274 = tpu.memref_slice %arg2[%select_n3A_170, %select_n3A_186] : memref<20x1024xi32, #tpu.memory_space<hbm>> -> memref<1x128xi32, #tpu.memory_space<hbm>>
    %dma_wait3A_275 = tpu.memref_squeeze %dma_wait3A_274 : memref<1x128xi32, #tpu.memory_space<hbm>> -> memref<128xi32, #tpu.memory_space<hbm>>
    tpu.wait_dma2 semaphore(%arg18 : memref<!tpu.dma_semaphore, #tpu.memory_space<semaphore_mem>>) src(%dma_wait3A_275 : memref<128xi32, #tpu.memory_space<hbm>>) dst(%dma_wait3A_273 : memref<128xi32, #tpu.memory_space<vmem>>)
    %dma_wait3A_276 = arith.constant 512 : i32
    %dma_wait3A_277 = tpu.memref_slice %arg5[%dma_wait3A_276] : memref<640xi32, #tpu.memory_space<vmem>> -> memref<128xi32, #tpu.memory_space<vmem>>
    %dma_wait3A_278 = tpu.memref_slice %arg2[%select_n3A_220, %select_n3A_236] : memref<20x1024xi32, #tpu.memory_space<hbm>> -> memref<1x128xi32, #tpu.memory_space<hbm>>
    %dma_wait3A_279 = tpu.memref_squeeze %dma_wait3A_278 : memref<1x128xi32, #tpu.memory_space<hbm>> -> memref<128xi32, #tpu.memory_space<hbm>>
    %dma_wait3A_280 = arith.constant 512 : i32
    %dma_wait3A_281 = tpu.memref_slice %arg5[%dma_wait3A_280] : memref<640xi32, #tpu.memory_space<vmem>> -> memref<128xi32, #tpu.memory_space<vmem>>
    %dma_wait3A_282 = tpu.memref_slice %arg2[%select_n3A_220, %select_n3A_236] : memref<20x1024xi32, #tpu.memory_space<hbm>> -> memref<1x128xi32, #tpu.memory_space<hbm>>
    %dma_wait3A_283 = tpu.memref_squeeze %dma_wait3A_282 : memref<1x128xi32, #tpu.memory_space<hbm>> -> memref<128xi32, #tpu.memory_space<hbm>>
    tpu.wait_dma2 semaphore(%arg18 : memref<!tpu.dma_semaphore, #tpu.memory_space<semaphore_mem>>) src(%dma_wait3A_283 : memref<128xi32, #tpu.memory_space<hbm>>) dst(%dma_wait3A_281 : memref<128xi32, #tpu.memory_space<vmem>>)
    %dma_start3A_284 = arith.constant 0 : i32
    %dma_start3A_285 = arith.constant 0 : i32
    %dma_start3A_286 = tpu.memref_slice %arg6[%dma_start3A_284, %dma_start3A_285] : memref<640x128xf32, #tpu.memory_space<vmem>> -> memref<80x128xf32, #tpu.memory_space<vmem>>
    %dma_start3A_287 = arith.constant 0 : i32
    %dma_start3A_288 = tpu.memref_slice %arg5[%dma_start3A_287] : memref<640xi32, #tpu.memory_space<vmem>> -> memref<80xi32, #tpu.memory_space<vmem>>
    %dma_start3A_289 = arith.constant 0 : i32
    %dma_start3A_290 = arith.constant 0 : i32
    %dma_start3A_291 = tpu.memref_slice %arg3[%dma_start3A_289, %dma_start3A_290] : memref<1000x128xf32, #tpu.memory_space<hbm>> -> memref<1000x128xf32, #tpu.memory_space<hbm>>
    tpu.enqueue_indirect_dma source(%dma_start3A_291 : memref<1000x128xf32, #tpu.memory_space<hbm>>) target(%dma_start3A_286 : memref<80x128xf32, #tpu.memory_space<vmem>>) offsets(%dma_start3A_288 : memref<80xi32, #tpu.memory_space<vmem>>) semaphore(%arg8 : memref<!tpu.dma_semaphore, #tpu.memory_space<semaphore_mem>>)
    %eq3A_292 = arith.constant 0 : i32
    %eq3A_293 = arith.cmpi eq, %arg1, %eq3A_292 : i32
    %convert_element_type3A_294 = arith.extui %eq3A_293 : i1 to i32
    %cond3A_295 = arith.constant 0 : i32
    %cond3A_296 = arith.cmpi ne, %convert_element_type3A_294, %cond3A_295 : i32
    scf.if %cond3A_296 {
      tpu.wait_dma2 semaphore(%arg17 : memref<!tpu.dma_semaphore, #tpu.memory_space<semaphore_mem>>) src(%arg3 : memref<1000x128xf32, #tpu.memory_space<hbm>>) dst(%arg7 : memref<1000x128xf32, #tpu.memory_space<vmem_shared>>)
    } else {
    }
    %barrier3A = arith.constant 0 : index
    tpu.barrier barrier_id(%barrier3A)
    %dma_start3A_297 = arith.constant 80 : i32
    %dma_start3A_298 = arith.constant 0 : i32
    %dma_start3A_299 = tpu.memref_slice %arg6[%dma_start3A_297, %dma_start3A_298] : memref<640x128xf32, #tpu.memory_space<vmem>> -> memref<80x128xf32, #tpu.memory_space<vmem>>
    %dma_start3A_300 = arith.constant 80 : i32
    %dma_start3A_301 = tpu.memref_slice %arg5[%dma_start3A_300] : memref<640xi32, #tpu.memory_space<vmem>> -> memref<80xi32, #tpu.memory_space<vmem>>
    %dma_start3A_302 = arith.constant 0 : i32
    %dma_start3A_303 = arith.constant 0 : i32
    %dma_start3A_304 = tpu.memref_slice %arg7[%dma_start3A_302, %dma_start3A_303] : memref<1000x128xf32, #tpu.memory_space<vmem_shared>> -> memref<1000x128xf32, #tpu.memory_space<vmem_shared>>
    tpu.enqueue_indirect_dma source(%dma_start3A_304 : memref<1000x128xf32, #tpu.memory_space<vmem_shared>>) target(%dma_start3A_299 : memref<80x128xf32, #tpu.memory_space<vmem>>) offsets(%dma_start3A_301 : memref<80xi32, #tpu.memory_space<vmem>>) semaphore(%arg9 : memref<!tpu.dma_semaphore, #tpu.memory_space<semaphore_mem>>)
    %dma_start3A_305 = arith.constant 160 : i32
    %dma_start3A_306 = arith.constant 0 : i32
    %dma_start3A_307 = tpu.memref_slice %arg6[%dma_start3A_305, %dma_start3A_306] : memref<640x128xf32, #tpu.memory_space<vmem>> -> memref<80x128xf32, #tpu.memory_space<vmem>>
    %dma_start3A_308 = arith.constant 160 : i32
    %dma_start3A_309 = tpu.memref_slice %arg5[%dma_start3A_308] : memref<640xi32, #tpu.memory_space<vmem>> -> memref<80xi32, #tpu.memory_space<vmem>>
    %dma_start3A_310 = arith.constant 0 : i32
    %dma_start3A_311 = arith.constant 0 : i32
    %dma_start3A_312 = tpu.memref_slice %arg7[%dma_start3A_310, %dma_start3A_311] : memref<1000x128xf32, #tpu.memory_space<vmem_shared>> -> memref<1000x128xf32, #tpu.memory_space<vmem_shared>>
    tpu.enqueue_indirect_dma source(%dma_start3A_312 : memref<1000x128xf32, #tpu.memory_space<vmem_shared>>) target(%dma_start3A_307 : memref<80x128xf32, #tpu.memory_space<vmem>>) offsets(%dma_start3A_309 : memref<80xi32, #tpu.memory_space<vmem>>) semaphore(%arg10 : memref<!tpu.dma_semaphore, #tpu.memory_space<semaphore_mem>>)
    %dma_start3A_313 = arith.constant 240 : i32
    %dma_start3A_314 = arith.constant 0 : i32
    %dma_start3A_315 = tpu.memref_slice %arg6[%dma_start3A_313, %dma_start3A_314] : memref<640x128xf32, #tpu.memory_space<vmem>> -> memref<80x128xf32, #tpu.memory_space<vmem>>
    %dma_start3A_316 = arith.constant 240 : i32
    %dma_start3A_317 = tpu.memref_slice %arg5[%dma_start3A_316] : memref<640xi32, #tpu.memory_space<vmem>> -> memref<80xi32, #tpu.memory_space<vmem>>
    %dma_start3A_318 = arith.constant 0 : i32
    %dma_start3A_319 = arith.constant 0 : i32
    %dma_start3A_320 = tpu.memref_slice %arg7[%dma_start3A_318, %dma_start3A_319] : memref<1000x128xf32, #tpu.memory_space<vmem_shared>> -> memref<1000x128xf32, #tpu.memory_space<vmem_shared>>
    tpu.enqueue_indirect_dma source(%dma_start3A_320 : memref<1000x128xf32, #tpu.memory_space<vmem_shared>>) target(%dma_start3A_315 : memref<80x128xf32, #tpu.memory_space<vmem>>) offsets(%dma_start3A_317 : memref<80xi32, #tpu.memory_space<vmem>>) semaphore(%arg11 : memref<!tpu.dma_semaphore, #tpu.memory_space<semaphore_mem>>)
    %dma_start3A_321 = arith.constant 320 : i32
    %dma_start3A_322 = arith.constant 0 : i32
    %dma_start3A_323 = tpu.memref_slice %arg6[%dma_start3A_321, %dma_start3A_322] : memref<640x128xf32, #tpu.memory_space<vmem>> -> memref<80x128xf32, #tpu.memory_space<vmem>>
    %dma_start3A_324 = arith.constant 320 : i32
    %dma_start3A_325 = tpu.memref_slice %arg5[%dma_start3A_324] : memref<640xi32, #tpu.memory_space<vmem>> -> memref<80xi32, #tpu.memory_space<vmem>>
    %dma_start3A_326 = arith.constant 0 : i32
    %dma_start3A_327 = arith.constant 0 : i32
    %dma_start3A_328 = tpu.memref_slice %arg7[%dma_start3A_326, %dma_start3A_327] : memref<1000x128xf32, #tpu.memory_space<vmem_shared>> -> memref<1000x128xf32, #tpu.memory_space<vmem_shared>>
    tpu.enqueue_indirect_dma source(%dma_start3A_328 : memref<1000x128xf32, #tpu.memory_space<vmem_shared>>) target(%dma_start3A_323 : memref<80x128xf32, #tpu.memory_space<vmem>>) offsets(%dma_start3A_325 : memref<80xi32, #tpu.memory_space<vmem>>) semaphore(%arg12 : memref<!tpu.dma_semaphore, #tpu.memory_space<semaphore_mem>>)
    %dma_start3A_329 = arith.constant 400 : i32
    %dma_start3A_330 = arith.constant 0 : i32
    %dma_start3A_331 = tpu.memref_slice %arg6[%dma_start3A_329, %dma_start3A_330] : memref<640x128xf32, #tpu.memory_space<vmem>> -> memref<80x128xf32, #tpu.memory_space<vmem>>
    %dma_start3A_332 = arith.constant 400 : i32
    %dma_start3A_333 = tpu.memref_slice %arg5[%dma_start3A_332] : memref<640xi32, #tpu.memory_space<vmem>> -> memref<80xi32, #tpu.memory_space<vmem>>
    %dma_start3A_334 = arith.constant 0 : i32
    %dma_start3A_335 = arith.constant 0 : i32
    %dma_start3A_336 = tpu.memref_slice %arg7[%dma_start3A_334, %dma_start3A_335] : memref<1000x128xf32, #tpu.memory_space<vmem_shared>> -> memref<1000x128xf32, #tpu.memory_space<vmem_shared>>
    tpu.enqueue_indirect_dma source(%dma_start3A_336 : memref<1000x128xf32, #tpu.memory_space<vmem_shared>>) target(%dma_start3A_331 : memref<80x128xf32, #tpu.memory_space<vmem>>) offsets(%dma_start3A_333 : memref<80xi32, #tpu.memory_space<vmem>>) semaphore(%arg13 : memref<!tpu.dma_semaphore, #tpu.memory_space<semaphore_mem>>)
    %dma_start3A_337 = arith.constant 480 : i32
    %dma_start3A_338 = arith.constant 0 : i32
    %dma_start3A_339 = tpu.memref_slice %arg6[%dma_start3A_337, %dma_start3A_338] : memref<640x128xf32, #tpu.memory_space<vmem>> -> memref<80x128xf32, #tpu.memory_space<vmem>>
    %dma_start3A_340 = arith.constant 480 : i32
    %dma_start3A_341 = tpu.memref_slice %arg5[%dma_start3A_340] : memref<640xi32, #tpu.memory_space<vmem>> -> memref<80xi32, #tpu.memory_space<vmem>>
    %dma_start3A_342 = arith.constant 0 : i32
    %dma_start3A_343 = arith.constant 0 : i32
    %dma_start3A_344 = tpu.memref_slice %arg7[%dma_start3A_342, %dma_start3A_343] : memref<1000x128xf32, #tpu.memory_space<vmem_shared>> -> memref<1000x128xf32, #tpu.memory_space<vmem_shared>>
    tpu.enqueue_indirect_dma source(%dma_start3A_344 : memref<1000x128xf32, #tpu.memory_space<vmem_shared>>) target(%dma_start3A_339 : memref<80x128xf32, #tpu.memory_space<vmem>>) offsets(%dma_start3A_341 : memref<80xi32, #tpu.memory_space<vmem>>) semaphore(%arg14 : memref<!tpu.dma_semaphore, #tpu.memory_space<semaphore_mem>>)
    %dma_start3A_345 = arith.constant 560 : i32
    %dma_start3A_346 = arith.constant 0 : i32
    %dma_start3A_347 = tpu.memref_slice %arg6[%dma_start3A_345, %dma_start3A_346] : memref<640x128xf32, #tpu.memory_space<vmem>> -> memref<80x128xf32, #tpu.memory_space<vmem>>
    %dma_start3A_348 = arith.constant 560 : i32
    %dma_start3A_349 = tpu.memref_slice %arg5[%dma_start3A_348] : memref<640xi32, #tpu.memory_space<vmem>> -> memref<80xi32, #tpu.memory_space<vmem>>
    %dma_start3A_350 = arith.constant 0 : i32
    %dma_start3A_351 = arith.constant 0 : i32
    %dma_start3A_352 = tpu.memref_slice %arg7[%dma_start3A_350, %dma_start3A_351] : memref<1000x128xf32, #tpu.memory_space<vmem_shared>> -> memref<1000x128xf32, #tpu.memory_space<vmem_shared>>
    tpu.enqueue_indirect_dma source(%dma_start3A_352 : memref<1000x128xf32, #tpu.memory_space<vmem_shared>>) target(%dma_start3A_347 : memref<80x128xf32, #tpu.memory_space<vmem>>) offsets(%dma_start3A_349 : memref<80xi32, #tpu.memory_space<vmem>>) semaphore(%arg15 : memref<!tpu.dma_semaphore, #tpu.memory_space<semaphore_mem>>)
    %dma_wait3A_353 = arith.constant 0 : i32
    %dma_wait3A_354 = arith.constant 0 : i32
    %dma_wait3A_355 = tpu.memref_slice %arg6[%dma_wait3A_353, %dma_wait3A_354] : memref<640x128xf32, #tpu.memory_space<vmem>> -> memref<80x128xf32, #tpu.memory_space<vmem>>
    %dma_wait3A_356 = arith.constant 0 : i32
    %dma_wait3A_357 = tpu.memref_slice %arg5[%dma_wait3A_356] : memref<640xi32, #tpu.memory_space<vmem>> -> memref<80xi32, #tpu.memory_space<vmem>>
    %dma_wait3A_358 = arith.constant 0 : i32
    %dma_wait3A_359 = arith.constant 0 : i32
    %dma_wait3A_360 = tpu.memref_slice %arg3[%dma_wait3A_358, %dma_wait3A_359] : memref<1000x128xf32, #tpu.memory_space<hbm>> -> memref<1000x128xf32, #tpu.memory_space<hbm>>
    tpu.wait_indirect_dma semaphore(%arg8 : memref<!tpu.dma_semaphore, #tpu.memory_space<semaphore_mem>>) src(%dma_wait3A_360 : memref<1000x128xf32, #tpu.memory_space<hbm>>) dst(%dma_wait3A_355 : memref<80x128xf32, #tpu.memory_space<vmem>>)
    %add3A_361 = arith.constant 0 : i32
    %add3A_362 = arith.addi %mul3A_2, %add3A_361 : i32
    %dma_start3A_363 = arith.constant 0 : i32
    %dma_start3A_364 = arith.constant 0 : i32
    %dma_start3A_365 = tpu.memref_slice %arg6[%dma_start3A_363, %dma_start3A_364] : memref<640x128xf32, #tpu.memory_space<vmem>> -> memref<80x128xf32, #tpu.memory_space<vmem>>
    %dma_start3A_366 = arith.constant 0 : i32
    %dma_start3A_367 = tpu.memref_slice %arg4[%add3A_362, %dma_start3A_366] : memref<20480x128xf32, #tpu.memory_space<hbm>> -> memref<80x128xf32, #tpu.memory_space<hbm>>
    %dma_start3A_368 = arith.constant 0 : i32
    %dma_start3A_369 = tpu.memref_slice %arg4[%add3A_362, %dma_start3A_368] : memref<20480x128xf32, #tpu.memory_space<hbm>> -> memref<80x128xf32, #tpu.memory_space<hbm>>
    %dma_start3A_370 = arith.constant 0 : i32
    %dma_start3A_371 = arith.constant 0 : i32
    %dma_start3A_372 = tpu.memref_slice %arg6[%dma_start3A_370, %dma_start3A_371] : memref<640x128xf32, #tpu.memory_space<vmem>> -> memref<80x128xf32, #tpu.memory_space<vmem>>
    tpu.enqueue_dma source(%dma_start3A_372 : memref<80x128xf32, #tpu.memory_space<vmem>>) target(%dma_start3A_369 : memref<80x128xf32, #tpu.memory_space<hbm>>) target_semaphore(%arg16 : memref<!tpu.dma_semaphore, #tpu.memory_space<semaphore_mem>>)
    %dma_wait3A_373 = arith.constant 80 : i32
    %dma_wait3A_374 = arith.constant 0 : i32
    %dma_wait3A_375 = tpu.memref_slice %arg6[%dma_wait3A_373, %dma_wait3A_374] : memref<640x128xf32, #tpu.memory_space<vmem>> -> memref<80x128xf32, #tpu.memory_space<vmem>>
    %dma_wait3A_376 = arith.constant 80 : i32
    %dma_wait3A_377 = tpu.memref_slice %arg5[%dma_wait3A_376] : memref<640xi32, #tpu.memory_space<vmem>> -> memref<80xi32, #tpu.memory_space<vmem>>
    %dma_wait3A_378 = arith.constant 0 : i32
    %dma_wait3A_379 = arith.constant 0 : i32
    %dma_wait3A_380 = tpu.memref_slice %arg7[%dma_wait3A_378, %dma_wait3A_379] : memref<1000x128xf32, #tpu.memory_space<vmem_shared>> -> memref<1000x128xf32, #tpu.memory_space<vmem_shared>>
    tpu.wait_indirect_dma semaphore(%arg9 : memref<!tpu.dma_semaphore, #tpu.memory_space<semaphore_mem>>) src(%dma_wait3A_380 : memref<1000x128xf32, #tpu.memory_space<vmem_shared>>) dst(%dma_wait3A_375 : memref<80x128xf32, #tpu.memory_space<vmem>>)
    %add3A_381 = arith.constant 80 : i32
    %add3A_382 = arith.addi %mul3A_2, %add3A_381 : i32
    %dma_start3A_383 = arith.constant 80 : i32
    %dma_start3A_384 = arith.constant 0 : i32
    %dma_start3A_385 = tpu.memref_slice %arg6[%dma_start3A_383, %dma_start3A_384] : memref<640x128xf32, #tpu.memory_space<vmem>> -> memref<80x128xf32, #tpu.memory_space<vmem>>
    %dma_start3A_386 = arith.constant 0 : i32
    %dma_start3A_387 = tpu.memref_slice %arg4[%add3A_382, %dma_start3A_386] : memref<20480x128xf32, #tpu.memory_space<hbm>> -> memref<80x128xf32, #tpu.memory_space<hbm>>
    %dma_start3A_388 = arith.constant 0 : i32
    %dma_start3A_389 = tpu.memref_slice %arg4[%add3A_382, %dma_start3A_388] : memref<20480x128xf32, #tpu.memory_space<hbm>> -> memref<80x128xf32, #tpu.memory_space<hbm>>
    %dma_start3A_390 = arith.constant 80 : i32
    %dma_start3A_391 = arith.constant 0 : i32
    %dma_start3A_392 = tpu.memref_slice %arg6[%dma_start3A_390, %dma_start3A_391] : memref<640x128xf32, #tpu.memory_space<vmem>> -> memref<80x128xf32, #tpu.memory_space<vmem>>
    tpu.enqueue_dma source(%dma_start3A_392 : memref<80x128xf32, #tpu.memory_space<vmem>>) target(%dma_start3A_389 : memref<80x128xf32, #tpu.memory_space<hbm>>) target_semaphore(%arg16 : memref<!tpu.dma_semaphore, #tpu.memory_space<semaphore_mem>>)
    %dma_wait3A_393 = arith.constant 160 : i32
    %dma_wait3A_394 = arith.constant 0 : i32
    %dma_wait3A_395 = tpu.memref_slice %arg6[%dma_wait3A_393, %dma_wait3A_394] : memref<640x128xf32, #tpu.memory_space<vmem>> -> memref<80x128xf32, #tpu.memory_space<vmem>>
    %dma_wait3A_396 = arith.constant 160 : i32
    %dma_wait3A_397 = tpu.memref_slice %arg5[%dma_wait3A_396] : memref<640xi32, #tpu.memory_space<vmem>> -> memref<80xi32, #tpu.memory_space<vmem>>
    %dma_wait3A_398 = arith.constant 0 : i32
    %dma_wait3A_399 = arith.constant 0 : i32
    %dma_wait3A_400 = tpu.memref_slice %arg7[%dma_wait3A_398, %dma_wait3A_399] : memref<1000x128xf32, #tpu.memory_space<vmem_shared>> -> memref<1000x128xf32, #tpu.memory_space<vmem_shared>>
    tpu.wait_indirect_dma semaphore(%arg10 : memref<!tpu.dma_semaphore, #tpu.memory_space<semaphore_mem>>) src(%dma_wait3A_400 : memref<1000x128xf32, #tpu.memory_space<vmem_shared>>) dst(%dma_wait3A_395 : memref<80x128xf32, #tpu.memory_space<vmem>>)
    %add3A_401 = arith.constant 160 : i32
    %add3A_402 = arith.addi %mul3A_2, %add3A_401 : i32
    %dma_start3A_403 = arith.constant 160 : i32
    %dma_start3A_404 = arith.constant 0 : i32
    %dma_start3A_405 = tpu.memref_slice %arg6[%dma_start3A_403, %dma_start3A_404] : memref<640x128xf32, #tpu.memory_space<vmem>> -> memref<80x128xf32, #tpu.memory_space<vmem>>
    %dma_start3A_406 = arith.constant 0 : i32
    %dma_start3A_407 = tpu.memref_slice %arg4[%add3A_402, %dma_start3A_406] : memref<20480x128xf32, #tpu.memory_space<hbm>> -> memref<80x128xf32, #tpu.memory_space<hbm>>
    %dma_start3A_408 = arith.constant 0 : i32
    %dma_start3A_409 = tpu.memref_slice %arg4[%add3A_402, %dma_start3A_408] : memref<20480x128xf32, #tpu.memory_space<hbm>> -> memref<80x128xf32, #tpu.memory_space<hbm>>
    %dma_start3A_410 = arith.constant 160 : i32
    %dma_start3A_411 = arith.constant 0 : i32
    %dma_start3A_412 = tpu.memref_slice %arg6[%dma_start3A_410, %dma_start3A_411] : memref<640x128xf32, #tpu.memory_space<vmem>> -> memref<80x128xf32, #tpu.memory_space<vmem>>
    tpu.enqueue_dma source(%dma_start3A_412 : memref<80x128xf32, #tpu.memory_space<vmem>>) target(%dma_start3A_409 : memref<80x128xf32, #tpu.memory_space<hbm>>) target_semaphore(%arg16 : memref<!tpu.dma_semaphore, #tpu.memory_space<semaphore_mem>>)
    %dma_wait3A_413 = arith.constant 240 : i32
    %dma_wait3A_414 = arith.constant 0 : i32
    %dma_wait3A_415 = tpu.memref_slice %arg6[%dma_wait3A_413, %dma_wait3A_414] : memref<640x128xf32, #tpu.memory_space<vmem>> -> memref<80x128xf32, #tpu.memory_space<vmem>>
    %dma_wait3A_416 = arith.constant 240 : i32
    %dma_wait3A_417 = tpu.memref_slice %arg5[%dma_wait3A_416] : memref<640xi32, #tpu.memory_space<vmem>> -> memref<80xi32, #tpu.memory_space<vmem>>
    %dma_wait3A_418 = arith.constant 0 : i32
    %dma_wait3A_419 = arith.constant 0 : i32
    %dma_wait3A_420 = tpu.memref_slice %arg7[%dma_wait3A_418, %dma_wait3A_419] : memref<1000x128xf32, #tpu.memory_space<vmem_shared>> -> memref<1000x128xf32, #tpu.memory_space<vmem_shared>>
    tpu.wait_indirect_dma semaphore(%arg11 : memref<!tpu.dma_semaphore, #tpu.memory_space<semaphore_mem>>) src(%dma_wait3A_420 : memref<1000x128xf32, #tpu.memory_space<vmem_shared>>) dst(%dma_wait3A_415 : memref<80x128xf32, #tpu.memory_space<vmem>>)
    %add3A_421 = arith.constant 240 : i32
    %add3A_422 = arith.addi %mul3A_2, %add3A_421 : i32
    %dma_start3A_423 = arith.constant 240 : i32
    %dma_start3A_424 = arith.constant 0 : i32
    %dma_start3A_425 = tpu.memref_slice %arg6[%dma_start3A_423, %dma_start3A_424] : memref<640x128xf32, #tpu.memory_space<vmem>> -> memref<80x128xf32, #tpu.memory_space<vmem>>
    %dma_start3A_426 = arith.constant 0 : i32
    %dma_start3A_427 = tpu.memref_slice %arg4[%add3A_422, %dma_start3A_426] : memref<20480x128xf32, #tpu.memory_space<hbm>> -> memref<80x128xf32, #tpu.memory_space<hbm>>
    %dma_start3A_428 = arith.constant 0 : i32
    %dma_start3A_429 = tpu.memref_slice %arg4[%add3A_422, %dma_start3A_428] : memref<20480x128xf32, #tpu.memory_space<hbm>> -> memref<80x128xf32, #tpu.memory_space<hbm>>
    %dma_start3A_430 = arith.constant 240 : i32
    %dma_start3A_431 = arith.constant 0 : i32
    %dma_start3A_432 = tpu.memref_slice %arg6[%dma_start3A_430, %dma_start3A_431] : memref<640x128xf32, #tpu.memory_space<vmem>> -> memref<80x128xf32, #tpu.memory_space<vmem>>
    tpu.enqueue_dma source(%dma_start3A_432 : memref<80x128xf32, #tpu.memory_space<vmem>>) target(%dma_start3A_429 : memref<80x128xf32, #tpu.memory_space<hbm>>) target_semaphore(%arg16 : memref<!tpu.dma_semaphore, #tpu.memory_space<semaphore_mem>>)
    %dma_wait3A_433 = arith.constant 320 : i32
    %dma_wait3A_434 = arith.constant 0 : i32
    %dma_wait3A_435 = tpu.memref_slice %arg6[%dma_wait3A_433, %dma_wait3A_434] : memref<640x128xf32, #tpu.memory_space<vmem>> -> memref<80x128xf32, #tpu.memory_space<vmem>>
    %dma_wait3A_436 = arith.constant 320 : i32
    %dma_wait3A_437 = tpu.memref_slice %arg5[%dma_wait3A_436] : memref<640xi32, #tpu.memory_space<vmem>> -> memref<80xi32, #tpu.memory_space<vmem>>
    %dma_wait3A_438 = arith.constant 0 : i32
    %dma_wait3A_439 = arith.constant 0 : i32
    %dma_wait3A_440 = tpu.memref_slice %arg7[%dma_wait3A_438, %dma_wait3A_439] : memref<1000x128xf32, #tpu.memory_space<vmem_shared>> -> memref<1000x128xf32, #tpu.memory_space<vmem_shared>>
    tpu.wait_indirect_dma semaphore(%arg12 : memref<!tpu.dma_semaphore, #tpu.memory_space<semaphore_mem>>) src(%dma_wait3A_440 : memref<1000x128xf32, #tpu.memory_space<vmem_shared>>) dst(%dma_wait3A_435 : memref<80x128xf32, #tpu.memory_space<vmem>>)
    %add3A_441 = arith.constant 320 : i32
    %add3A_442 = arith.addi %mul3A_2, %add3A_441 : i32
    %dma_start3A_443 = arith.constant 320 : i32
    %dma_start3A_444 = arith.constant 0 : i32
    %dma_start3A_445 = tpu.memref_slice %arg6[%dma_start3A_443, %dma_start3A_444] : memref<640x128xf32, #tpu.memory_space<vmem>> -> memref<80x128xf32, #tpu.memory_space<vmem>>
    %dma_start3A_446 = arith.constant 0 : i32
    %dma_start3A_447 = tpu.memref_slice %arg4[%add3A_442, %dma_start3A_446] : memref<20480x128xf32, #tpu.memory_space<hbm>> -> memref<80x128xf32, #tpu.memory_space<hbm>>
    %dma_start3A_448 = arith.constant 0 : i32
    %dma_start3A_449 = tpu.memref_slice %arg4[%add3A_442, %dma_start3A_448] : memref<20480x128xf32, #tpu.memory_space<hbm>> -> memref<80x128xf32, #tpu.memory_space<hbm>>
    %dma_start3A_450 = arith.constant 320 : i32
    %dma_start3A_451 = arith.constant 0 : i32
    %dma_start3A_452 = tpu.memref_slice %arg6[%dma_start3A_450, %dma_start3A_451] : memref<640x128xf32, #tpu.memory_space<vmem>> -> memref<80x128xf32, #tpu.memory_space<vmem>>
    tpu.enqueue_dma source(%dma_start3A_452 : memref<80x128xf32, #tpu.memory_space<vmem>>) target(%dma_start3A_449 : memref<80x128xf32, #tpu.memory_space<hbm>>) target_semaphore(%arg16 : memref<!tpu.dma_semaphore, #tpu.memory_space<semaphore_mem>>)
    %dma_wait3A_453 = arith.constant 400 : i32
    %dma_wait3A_454 = arith.constant 0 : i32
    %dma_wait3A_455 = tpu.memref_slice %arg6[%dma_wait3A_453, %dma_wait3A_454] : memref<640x128xf32, #tpu.memory_space<vmem>> -> memref<80x128xf32, #tpu.memory_space<vmem>>
    %dma_wait3A_456 = arith.constant 400 : i32
    %dma_wait3A_457 = tpu.memref_slice %arg5[%dma_wait3A_456] : memref<640xi32, #tpu.memory_space<vmem>> -> memref<80xi32, #tpu.memory_space<vmem>>
    %dma_wait3A_458 = arith.constant 0 : i32
    %dma_wait3A_459 = arith.constant 0 : i32
    %dma_wait3A_460 = tpu.memref_slice %arg7[%dma_wait3A_458, %dma_wait3A_459] : memref<1000x128xf32, #tpu.memory_space<vmem_shared>> -> memref<1000x128xf32, #tpu.memory_space<vmem_shared>>
    tpu.wait_indirect_dma semaphore(%arg13 : memref<!tpu.dma_semaphore, #tpu.memory_space<semaphore_mem>>) src(%dma_wait3A_460 : memref<1000x128xf32, #tpu.memory_space<vmem_shared>>) dst(%dma_wait3A_455 : memref<80x128xf32, #tpu.memory_space<vmem>>)
    %add3A_461 = arith.constant 400 : i32
    %add3A_462 = arith.addi %mul3A_2, %add3A_461 : i32
    %dma_start3A_463 = arith.constant 400 : i32
    %dma_start3A_464 = arith.constant 0 : i32
    %dma_start3A_465 = tpu.memref_slice %arg6[%dma_start3A_463, %dma_start3A_464] : memref<640x128xf32, #tpu.memory_space<vmem>> -> memref<80x128xf32, #tpu.memory_space<vmem>>
    %dma_start3A_466 = arith.constant 0 : i32
    %dma_start3A_467 = tpu.memref_slice %arg4[%add3A_462, %dma_start3A_466] : memref<20480x128xf32, #tpu.memory_space<hbm>> -> memref<80x128xf32, #tpu.memory_space<hbm>>
    %dma_start3A_468 = arith.constant 0 : i32
    %dma_start3A_469 = tpu.memref_slice %arg4[%add3A_462, %dma_start3A_468] : memref<20480x128xf32, #tpu.memory_space<hbm>> -> memref<80x128xf32, #tpu.memory_space<hbm>>
    %dma_start3A_470 = arith.constant 400 : i32
    %dma_start3A_471 = arith.constant 0 : i32
    %dma_start3A_472 = tpu.memref_slice %arg6[%dma_start3A_470, %dma_start3A_471] : memref<640x128xf32, #tpu.memory_space<vmem>> -> memref<80x128xf32, #tpu.memory_space<vmem>>
    tpu.enqueue_dma source(%dma_start3A_472 : memref<80x128xf32, #tpu.memory_space<vmem>>) target(%dma_start3A_469 : memref<80x128xf32, #tpu.memory_space<hbm>>) target_semaphore(%arg16 : memref<!tpu.dma_semaphore, #tpu.memory_space<semaphore_mem>>)
    %dma_wait3A_473 = arith.constant 480 : i32
    %dma_wait3A_474 = arith.constant 0 : i32
    %dma_wait3A_475 = tpu.memref_slice %arg6[%dma_wait3A_473, %dma_wait3A_474] : memref<640x128xf32, #tpu.memory_space<vmem>> -> memref<80x128xf32, #tpu.memory_space<vmem>>
    %dma_wait3A_476 = arith.constant 480 : i32
    %dma_wait3A_477 = tpu.memref_slice %arg5[%dma_wait3A_476] : memref<640xi32, #tpu.memory_space<vmem>> -> memref<80xi32, #tpu.memory_space<vmem>>
    %dma_wait3A_478 = arith.constant 0 : i32
    %dma_wait3A_479 = arith.constant 0 : i32
    %dma_wait3A_480 = tpu.memref_slice %arg7[%dma_wait3A_478, %dma_wait3A_479] : memref<1000x128xf32, #tpu.memory_space<vmem_shared>> -> memref<1000x128xf32, #tpu.memory_space<vmem_shared>>
    tpu.wait_indirect_dma semaphore(%arg14 : memref<!tpu.dma_semaphore, #tpu.memory_space<semaphore_mem>>) src(%dma_wait3A_480 : memref<1000x128xf32, #tpu.memory_space<vmem_shared>>) dst(%dma_wait3A_475 : memref<80x128xf32, #tpu.memory_space<vmem>>)
    %add3A_481 = arith.constant 480 : i32
    %add3A_482 = arith.addi %mul3A_2, %add3A_481 : i32
    %dma_start3A_483 = arith.constant 480 : i32
    %dma_start3A_484 = arith.constant 0 : i32
    %dma_start3A_485 = tpu.memref_slice %arg6[%dma_start3A_483, %dma_start3A_484] : memref<640x128xf32, #tpu.memory_space<vmem>> -> memref<80x128xf32, #tpu.memory_space<vmem>>
    %dma_start3A_486 = arith.constant 0 : i32
    %dma_start3A_487 = tpu.memref_slice %arg4[%add3A_482, %dma_start3A_486] : memref<20480x128xf32, #tpu.memory_space<hbm>> -> memref<80x128xf32, #tpu.memory_space<hbm>>
    %dma_start3A_488 = arith.constant 0 : i32
    %dma_start3A_489 = tpu.memref_slice %arg4[%add3A_482, %dma_start3A_488] : memref<20480x128xf32, #tpu.memory_space<hbm>> -> memref<80x128xf32, #tpu.memory_space<hbm>>
    %dma_start3A_490 = arith.constant 480 : i32
    %dma_start3A_491 = arith.constant 0 : i32
    %dma_start3A_492 = tpu.memref_slice %arg6[%dma_start3A_490, %dma_start3A_491] : memref<640x128xf32, #tpu.memory_space<vmem>> -> memref<80x128xf32, #tpu.memory_space<vmem>>
    tpu.enqueue_dma source(%dma_start3A_492 : memref<80x128xf32, #tpu.memory_space<vmem>>) target(%dma_start3A_489 : memref<80x128xf32, #tpu.memory_space<hbm>>) target_semaphore(%arg16 : memref<!tpu.dma_semaphore, #tpu.memory_space<semaphore_mem>>)
    %dma_wait3A_493 = arith.constant 560 : i32
    %dma_wait3A_494 = arith.constant 0 : i32
    %dma_wait3A_495 = tpu.memref_slice %arg6[%dma_wait3A_493, %dma_wait3A_494] : memref<640x128xf32, #tpu.memory_space<vmem>> -> memref<80x128xf32, #tpu.memory_space<vmem>>
    %dma_wait3A_496 = arith.constant 560 : i32
    %dma_wait3A_497 = tpu.memref_slice %arg5[%dma_wait3A_496] : memref<640xi32, #tpu.memory_space<vmem>> -> memref<80xi32, #tpu.memory_space<vmem>>
    %dma_wait3A_498 = arith.constant 0 : i32
    %dma_wait3A_499 = arith.constant 0 : i32
    %dma_wait3A_500 = tpu.memref_slice %arg7[%dma_wait3A_498, %dma_wait3A_499] : memref<1000x128xf32, #tpu.memory_space<vmem_shared>> -> memref<1000x128xf32, #tpu.memory_space<vmem_shared>>
    tpu.wait_indirect_dma semaphore(%arg15 : memref<!tpu.dma_semaphore, #tpu.memory_space<semaphore_mem>>) src(%dma_wait3A_500 : memref<1000x128xf32, #tpu.memory_space<vmem_shared>>) dst(%dma_wait3A_495 : memref<80x128xf32, #tpu.memory_space<vmem>>)
    %add3A_501 = arith.constant 560 : i32
    %add3A_502 = arith.addi %mul3A_2, %add3A_501 : i32
    %dma_start3A_503 = arith.constant 560 : i32
    %dma_start3A_504 = arith.constant 0 : i32
    %dma_start3A_505 = tpu.memref_slice %arg6[%dma_start3A_503, %dma_start3A_504] : memref<640x128xf32, #tpu.memory_space<vmem>> -> memref<80x128xf32, #tpu.memory_space<vmem>>
    %dma_start3A_506 = arith.constant 0 : i32
    %dma_start3A_507 = tpu.memref_slice %arg4[%add3A_502, %dma_start3A_506] : memref<20480x128xf32, #tpu.memory_space<hbm>> -> memref<80x128xf32, #tpu.memory_space<hbm>>
    %dma_start3A_508 = arith.constant 0 : i32
    %dma_start3A_509 = tpu.memref_slice %arg4[%add3A_502, %dma_start3A_508] : memref<20480x128xf32, #tpu.memory_space<hbm>> -> memref<80x128xf32, #tpu.memory_space<hbm>>
    %dma_start3A_510 = arith.constant 560 : i32
    %dma_start3A_511 = arith.constant 0 : i32
    %dma_start3A_512 = tpu.memref_slice %arg6[%dma_start3A_510, %dma_start3A_511] : memref<640x128xf32, #tpu.memory_space<vmem>> -> memref<80x128xf32, #tpu.memory_space<vmem>>
    tpu.enqueue_dma source(%dma_start3A_512 : memref<80x128xf32, #tpu.memory_space<vmem>>) target(%dma_start3A_509 : memref<80x128xf32, #tpu.memory_space<hbm>>) target_semaphore(%arg16 : memref<!tpu.dma_semaphore, #tpu.memory_space<semaphore_mem>>)
    %dma_wait3A_513 = arith.constant 0 : i32
    %dma_wait3A_514 = arith.constant 0 : i32
    %dma_wait3A_515 = tpu.memref_slice %arg6[%dma_wait3A_513, %dma_wait3A_514] : memref<640x128xf32, #tpu.memory_space<vmem>> -> memref<80x128xf32, #tpu.memory_space<vmem>>
    %dma_wait3A_516 = arith.constant 0 : i32
    %dma_wait3A_517 = tpu.memref_slice %arg4[%add3A_362, %dma_wait3A_516] : memref<20480x128xf32, #tpu.memory_space<hbm>> -> memref<80x128xf32, #tpu.memory_space<hbm>>
    %dma_wait3A_518 = arith.constant 0 : i32
    %dma_wait3A_519 = tpu.memref_slice %arg4[%add3A_362, %dma_wait3A_518] : memref<20480x128xf32, #tpu.memory_space<hbm>> -> memref<80x128xf32, #tpu.memory_space<hbm>>
    %dma_wait3A_520 = arith.constant 0 : i32
    %dma_wait3A_521 = arith.constant 0 : i32
    %dma_wait3A_522 = tpu.memref_slice %arg6[%dma_wait3A_520, %dma_wait3A_521] : memref<640x128xf32, #tpu.memory_space<vmem>> -> memref<80x128xf32, #tpu.memory_space<vmem>>
    tpu.wait_dma2 semaphore(%arg16 : memref<!tpu.dma_semaphore, #tpu.memory_space<semaphore_mem>>) src(%dma_wait3A_522 : memref<80x128xf32, #tpu.memory_space<vmem>>) dst(%dma_wait3A_519 : memref<80x128xf32, #tpu.memory_space<hbm>>)
    %dma_wait3A_523 = arith.constant 80 : i32
    %dma_wait3A_524 = arith.constant 0 : i32
    %dma_wait3A_525 = tpu.memref_slice %arg6[%dma_wait3A_523, %dma_wait3A_524] : memref<640x128xf32, #tpu.memory_space<vmem>> -> memref<80x128xf32, #tpu.memory_space<vmem>>
    %dma_wait3A_526 = arith.constant 0 : i32
    %dma_wait3A_527 = tpu.memref_slice %arg4[%add3A_382, %dma_wait3A_526] : memref<20480x128xf32, #tpu.memory_space<hbm>> -> memref<80x128xf32, #tpu.memory_space<hbm>>
    %dma_wait3A_528 = arith.constant 0 : i32
    %dma_wait3A_529 = tpu.memref_slice %arg4[%add3A_382, %dma_wait3A_528] : memref<20480x128xf32, #tpu.memory_space<hbm>> -> memref<80x128xf32, #tpu.memory_space<hbm>>
    %dma_wait3A_530 = arith.constant 80 : i32
    %dma_wait3A_531 = arith.constant 0 : i32
    %dma_wait3A_532 = tpu.memref_slice %arg6[%dma_wait3A_530, %dma_wait3A_531] : memref<640x128xf32, #tpu.memory_space<vmem>> -> memref<80x128xf32, #tpu.memory_space<vmem>>
    tpu.wait_dma2 semaphore(%arg16 : memref<!tpu.dma_semaphore, #tpu.memory_space<semaphore_mem>>) src(%dma_wait3A_532 : memref<80x128xf32, #tpu.memory_space<vmem>>) dst(%dma_wait3A_529 : memref<80x128xf32, #tpu.memory_space<hbm>>)
    %dma_wait3A_533 = arith.constant 160 : i32
    %dma_wait3A_534 = arith.constant 0 : i32
    %dma_wait3A_535 = tpu.memref_slice %arg6[%dma_wait3A_533, %dma_wait3A_534] : memref<640x128xf32, #tpu.memory_space<vmem>> -> memref<80x128xf32, #tpu.memory_space<vmem>>
    %dma_wait3A_536 = arith.constant 0 : i32
    %dma_wait3A_537 = tpu.memref_slice %arg4[%add3A_402, %dma_wait3A_536] : memref<20480x128xf32, #tpu.memory_space<hbm>> -> memref<80x128xf32, #tpu.memory_space<hbm>>
    %dma_wait3A_538 = arith.constant 0 : i32
    %dma_wait3A_539 = tpu.memref_slice %arg4[%add3A_402, %dma_wait3A_538] : memref<20480x128xf32, #tpu.memory_space<hbm>> -> memref<80x128xf32, #tpu.memory_space<hbm>>
    %dma_wait3A_540 = arith.constant 160 : i32
    %dma_wait3A_541 = arith.constant 0 : i32
    %dma_wait3A_542 = tpu.memref_slice %arg6[%dma_wait3A_540, %dma_wait3A_541] : memref<640x128xf32, #tpu.memory_space<vmem>> -> memref<80x128xf32, #tpu.memory_space<vmem>>
    tpu.wait_dma2 semaphore(%arg16 : memref<!tpu.dma_semaphore, #tpu.memory_space<semaphore_mem>>) src(%dma_wait3A_542 : memref<80x128xf32, #tpu.memory_space<vmem>>) dst(%dma_wait3A_539 : memref<80x128xf32, #tpu.memory_space<hbm>>)
    %dma_wait3A_543 = arith.constant 240 : i32
    %dma_wait3A_544 = arith.constant 0 : i32
    %dma_wait3A_545 = tpu.memref_slice %arg6[%dma_wait3A_543, %dma_wait3A_544] : memref<640x128xf32, #tpu.memory_space<vmem>> -> memref<80x128xf32, #tpu.memory_space<vmem>>
    %dma_wait3A_546 = arith.constant 0 : i32
    %dma_wait3A_547 = tpu.memref_slice %arg4[%add3A_422, %dma_wait3A_546] : memref<20480x128xf32, #tpu.memory_space<hbm>> -> memref<80x128xf32, #tpu.memory_space<hbm>>
    %dma_wait3A_548 = arith.constant 0 : i32
    %dma_wait3A_549 = tpu.memref_slice %arg4[%add3A_422, %dma_wait3A_548] : memref<20480x128xf32, #tpu.memory_space<hbm>> -> memref<80x128xf32, #tpu.memory_space<hbm>>
    %dma_wait3A_550 = arith.constant 240 : i32
    %dma_wait3A_551 = arith.constant 0 : i32
    %dma_wait3A_552 = tpu.memref_slice %arg6[%dma_wait3A_550, %dma_wait3A_551] : memref<640x128xf32, #tpu.memory_space<vmem>> -> memref<80x128xf32, #tpu.memory_space<vmem>>
    tpu.wait_dma2 semaphore(%arg16 : memref<!tpu.dma_semaphore, #tpu.memory_space<semaphore_mem>>) src(%dma_wait3A_552 : memref<80x128xf32, #tpu.memory_space<vmem>>) dst(%dma_wait3A_549 : memref<80x128xf32, #tpu.memory_space<hbm>>)
    %dma_wait3A_553 = arith.constant 320 : i32
    %dma_wait3A_554 = arith.constant 0 : i32
    %dma_wait3A_555 = tpu.memref_slice %arg6[%dma_wait3A_553, %dma_wait3A_554] : memref<640x128xf32, #tpu.memory_space<vmem>> -> memref<80x128xf32, #tpu.memory_space<vmem>>
    %dma_wait3A_556 = arith.constant 0 : i32
    %dma_wait3A_557 = tpu.memref_slice %arg4[%add3A_442, %dma_wait3A_556] : memref<20480x128xf32, #tpu.memory_space<hbm>> -> memref<80x128xf32, #tpu.memory_space<hbm>>
    %dma_wait3A_558 = arith.constant 0 : i32
    %dma_wait3A_559 = tpu.memref_slice %arg4[%add3A_442, %dma_wait3A_558] : memref<20480x128xf32, #tpu.memory_space<hbm>> -> memref<80x128xf32, #tpu.memory_space<hbm>>
    %dma_wait3A_560 = arith.constant 320 : i32
    %dma_wait3A_561 = arith.constant 0 : i32
    %dma_wait3A_562 = tpu.memref_slice %arg6[%dma_wait3A_560, %dma_wait3A_561] : memref<640x128xf32, #tpu.memory_space<vmem>> -> memref<80x128xf32, #tpu.memory_space<vmem>>
    tpu.wait_dma2 semaphore(%arg16 : memref<!tpu.dma_semaphore, #tpu.memory_space<semaphore_mem>>) src(%dma_wait3A_562 : memref<80x128xf32, #tpu.memory_space<vmem>>) dst(%dma_wait3A_559 : memref<80x128xf32, #tpu.memory_space<hbm>>)
    %dma_wait3A_563 = arith.constant 400 : i32
    %dma_wait3A_564 = arith.constant 0 : i32
    %dma_wait3A_565 = tpu.memref_slice %arg6[%dma_wait3A_563, %dma_wait3A_564] : memref<640x128xf32, #tpu.memory_space<vmem>> -> memref<80x128xf32, #tpu.memory_space<vmem>>
    %dma_wait3A_566 = arith.constant 0 : i32
    %dma_wait3A_567 = tpu.memref_slice %arg4[%add3A_462, %dma_wait3A_566] : memref<20480x128xf32, #tpu.memory_space<hbm>> -> memref<80x128xf32, #tpu.memory_space<hbm>>
    %dma_wait3A_568 = arith.constant 0 : i32
    %dma_wait3A_569 = tpu.memref_slice %arg4[%add3A_462, %dma_wait3A_568] : memref<20480x128xf32, #tpu.memory_space<hbm>> -> memref<80x128xf32, #tpu.memory_space<hbm>>
    %dma_wait3A_570 = arith.constant 400 : i32
    %dma_wait3A_571 = arith.constant 0 : i32
    %dma_wait3A_572 = tpu.memref_slice %arg6[%dma_wait3A_570, %dma_wait3A_571] : memref<640x128xf32, #tpu.memory_space<vmem>> -> memref<80x128xf32, #tpu.memory_space<vmem>>
    tpu.wait_dma2 semaphore(%arg16 : memref<!tpu.dma_semaphore, #tpu.memory_space<semaphore_mem>>) src(%dma_wait3A_572 : memref<80x128xf32, #tpu.memory_space<vmem>>) dst(%dma_wait3A_569 : memref<80x128xf32, #tpu.memory_space<hbm>>)
    %dma_wait3A_573 = arith.constant 480 : i32
    %dma_wait3A_574 = arith.constant 0 : i32
    %dma_wait3A_575 = tpu.memref_slice %arg6[%dma_wait3A_573, %dma_wait3A_574] : memref<640x128xf32, #tpu.memory_space<vmem>> -> memref<80x128xf32, #tpu.memory_space<vmem>>
    %dma_wait3A_576 = arith.constant 0 : i32
    %dma_wait3A_577 = tpu.memref_slice %arg4[%add3A_482, %dma_wait3A_576] : memref<20480x128xf32, #tpu.memory_space<hbm>> -> memref<80x128xf32, #tpu.memory_space<hbm>>
    %dma_wait3A_578 = arith.constant 0 : i32
    %dma_wait3A_579 = tpu.memref_slice %arg4[%add3A_482, %dma_wait3A_578] : memref<20480x128xf32, #tpu.memory_space<hbm>> -> memref<80x128xf32, #tpu.memory_space<hbm>>
    %dma_wait3A_580 = arith.constant 480 : i32
    %dma_wait3A_581 = arith.constant 0 : i32
    %dma_wait3A_582 = tpu.memref_slice %arg6[%dma_wait3A_580, %dma_wait3A_581] : memref<640x128xf32, #tpu.memory_space<vmem>> -> memref<80x128xf32, #tpu.memory_space<vmem>>
    tpu.wait_dma2 semaphore(%arg16 : memref<!tpu.dma_semaphore, #tpu.memory_space<semaphore_mem>>) src(%dma_wait3A_582 : memref<80x128xf32, #tpu.memory_space<vmem>>) dst(%dma_wait3A_579 : memref<80x128xf32, #tpu.memory_space<hbm>>)
    %dma_wait3A_583 = arith.constant 560 : i32
    %dma_wait3A_584 = arith.constant 0 : i32
    %dma_wait3A_585 = tpu.memref_slice %arg6[%dma_wait3A_583, %dma_wait3A_584] : memref<640x128xf32, #tpu.memory_space<vmem>> -> memref<80x128xf32, #tpu.memory_space<vmem>>
    %dma_wait3A_586 = arith.constant 0 : i32
    %dma_wait3A_587 = tpu.memref_slice %arg4[%add3A_502, %dma_wait3A_586] : memref<20480x128xf32, #tpu.memory_space<hbm>> -> memref<80x128xf32, #tpu.memory_space<hbm>>
    %dma_wait3A_588 = arith.constant 0 : i32
    %dma_wait3A_589 = tpu.memref_slice %arg4[%add3A_502, %dma_wait3A_588] : memref<20480x128xf32, #tpu.memory_space<hbm>> -> memref<80x128xf32, #tpu.memory_space<hbm>>
    %dma_wait3A_590 = arith.constant 560 : i32
    %dma_wait3A_591 = arith.constant 0 : i32
    %dma_wait3A_592 = tpu.memref_slice %arg6[%dma_wait3A_590, %dma_wait3A_591] : memref<640x128xf32, #tpu.memory_space<vmem>> -> memref<80x128xf32, #tpu.memory_space<vmem>>
    tpu.wait_dma2 semaphore(%arg16 : memref<!tpu.dma_semaphore, #tpu.memory_space<semaphore_mem>>) src(%dma_wait3A_592 : memref<80x128xf32, #tpu.memory_space<vmem>>) dst(%dma_wait3A_589 : memref<80x128xf32, #tpu.memory_space<hbm>>)
    return
  }
}

</mosaic_0001>

<sc_bundles>
// kernel: kernel.3.cloned.1.call-start
scs
__scs_entry_jumppad:
0x0: {  	(pc) =	sbr.rel $0x88, $3  }
0x1: {  	(tag) =	ssettag $0x0;
	lr =	simm.s32 $0x1  }
0x2: {  	[smem:$0x3F9F] =	sst lr;
	_ =	strace $0xD0000000  }
0x3: {  	_ = 	snop  }
0x4: {  	_ = 	snop  }
0x5: {  	_ = 	snop  }
0x6: {  	_ = 	snop  }
0x7: {  	_ = 	snop  }
__scs_overlays_trampoline_lowered:
0x8: {  	[smem:$0x3FAE] =	sst s0  }
0x9: {  	[smem:$0x3FAF] =	sst s1  }
0xa: {  	[smem:$0x3FB0] =	sst s2  }
0xb: {  	[smem:$0x3FB1] =	sst s3  }
0xc: {  	[smem:$0x3FB2] =	sst s4  }
0xd: {  	[smem:$0x3FB3] =	sst s5  }
0xe: {  	[smem:$0x3FB4] =	sst s6  }
0xf: {  	[smem:$0x3FB5] =	sst s7  }
0x10: {  	[smem:$0x3FB6] =	sst s8  }
0x11: {  	[smem:$0x3FB7] =	sst s9;
	s0 =	simm.s32 @!p0 $0x0  }
0x12: {  	s1 =	sld [smem:$0x3F9D];
	s0 =	simm.s32 @p0 $0x1  }
0x13: {  	[smem:$0x3FB8] =	sst s0;
	s0 =	simm.s32 @!p1 $0x0  }
0x14: {  	s2 =	sld [smem:$0x3F9C];
	s0 =	simm.s32 @p1 $0x1  }
0x15: {  	[smem:$0x3FB9] =	sst s0;
	s0 =	simm.s32 @!p2 $0x0  }
0x16: {  	s3 =	sld [smem:$0x3FDB];
	s0 =	simm.s32 @p2 $0x1  }
0x17: {  	s4 =	simm.s32 $0x1BF5;
	[smem:$0x3FBB] =	sst s0  }
0x18: {  	s0 =	sld [smem:$0x3F9E];
	_ =	swait.ge [sflag:s4], $0x0  }
0x19: {  	s7 =	sld [smem:$0x3F9F]  }
0x1a: {  	s8 =	sadd.s32 $0xFFFFE003, lr  }
0x1b: {  	s9 =	sadd.s32 $0xFFFFFEF7, lr;
	s5 =	simm.s32 $0xFFFFFFFF;
	p2 =	slt.u32 s8, $0xFFFFF086  }
0x1c: {  	p1 =	slt.u32 s9, $0xF7A;
	s5 =	simm.s32 @!p2 $0x0  }
0x1d: {  	s5 =	simm.s32 @p1 $0x1;
	p0 =	seq.s32 s7, s2  }
0x1e: {  	s7 =	smul.u32 @!p0 $0xF7A, s2;
	p2 =	seq.s32 @!p0 s5, $0x0  }
0x1f: {  	s9 =	smul.u32 $0xF7A, s1;
	s8 =	simm.s32 @!p0 $0x1BF5;
	p2 =	por !p2, p0  }
0x20: {  	[sflag:s8] =	ssyncset.s32 @!p0 $0xFFFFF086;
	s6 =	sadd.s32 @!p0 s3, s7;
	s7 =	simm.s32 @!p0 $0x108  }
0x21: {  	s3 =	sadd.s32 s3, s9;
	s6 =	sadd.s32 @!p0 $0x88, s6;
	s7 =	simm.s32 @p2 $0x1082  }
0x22: {  	[simem:s7], [sflag:s8] =	dma.local @!p0 [hbm:s6], $0xF7A  }
0x23: {  	s9 =	sor.u32 $0xD0000000, s2;
	s6 =	simm.s32 $0x108;
	_ =	swait.ge @!p0 [sflag:s8], $0x0  }
0x24: {  	s3 =	sadd.s32 $0x88, s3;
	s6 =	simm.s32 @!p1 $0x1082;
	[sflag:s4] =	ssyncset.s32 $0xFFFFF086  }
0x25: {  	[simem:s6], [sflag:s4] =	dma.local [hbm:s3], $0xF7A  }
0x26: {  	[smem:$0x3F9F] =	sst s1;
	(tag) =	ssettag s2;
	_ =	strace s9  }
0x27: {  	s1 =	sld [smem:$0x3FAF]  }
0x28: {  	s2 =	sld [smem:$0x3FB0]  }
0x29: {  	s4 =	sld [smem:$0x3FB2]  }
0x2a: {  	p0 =	seq.s32 s5, $0x0;
	s5 =	sld [smem:$0x3FB3]  }
0x2b: {  	s6 =	sld [smem:$0x3FB4]  }
0x2c: {  	s7 =	sld [smem:$0x3FB5]  }
0x2d: {  	s3 =	simm.s32 $0x108;
	s8 =	sld [smem:$0x3FB6]  }
0x2e: {  	s3 =	simm.s32 @!p0 $0x1082;
	s9 =	sld [smem:$0x3FB7]  }
0x2f: {  	lr =	sadd.s32 s0, s3;
	s0 =	sld [smem:$0x3FAE]  }
0x30: {  	s3 =	sld [smem:$0x3FB1]  }
0x31: {  	[smem:$0x3FBA] =	sst s10  }
0x32: {  	s10 =	sld [smem:$0x3FB8];
	_ =	sdelay $0x3  }
0x33: {  	p0 =	seq.s32 s10, $0x1;
	s10 =	sld [smem:$0x3FBA];
	_ =	sdelay $0x3  }
0x34: {  	[smem:$0x3FBA] =	sst s10  }
0x35: {  	s10 =	sld [smem:$0x3FB9];
	_ =	sdelay $0x3  }
0x36: {  	p1 =	seq.s32 s10, $0x1;
	s10 =	sld [smem:$0x3FBA];
	_ =	sdelay $0x3  }
0x37: {  	[smem:$0x3FBA] =	sst s10  }
0x38: {  	s10 =	sld [smem:$0x3FBB]  }
0x39: {  	_ = 	snop;
	(pc) =	sbr.ind lr, $3  }
0x3a: {  	_ = 	snop  }
0x3b: {  	_ = 	snop  }
0x3c: {  	p2 =	seq.s32 s10, $0x1;
	s10 =	sld [smem:$0x3FBA]  }
0x3d: {  	_ =	shalt  }
0x3e: {  	_ =	shalt  }
0x3f: {  	_ =	shalt  }
0x40: {  	_ =	shalt  }
0x41: {  	_ =	shalt  }
0x42: {  	_ =	shalt  }
0x43: {  	_ =	shalt  }
0x44: {  	_ =	shalt  }
0x45: {  	_ =	shalt  }
0x46: {  	_ =	shalt  }
0x47: {  	_ =	shalt  }
0x48: {  	_ =	shalt  }
0x49: {  	_ =	shalt  }
0x4a: {  	_ =	shalt  }
0x4b: {  	_ =	shalt  }
0x4c: {  	_ =	shalt  }
0x4d: {  	_ =	shalt  }
0x4e: {  	_ =	shalt  }
0x4f: {  	_ =	shalt  }
0x50: {  	_ =	shalt  }
0x51: {  	_ =	shalt  }
0x52: {  	_ =	shalt  }
0x53: {  	_ =	shalt  }
0x54: {  	_ =	shalt  }
0x55: {  	_ =	shalt  }
0x56: {  	_ =	shalt  }
0x57: {  	_ =	shalt  }
0x58: {  	_ =	shalt  }
0x59: {  	_ =	shalt  }
0x5a: {  	_ =	shalt  }
0x5b: {  	_ =	shalt  }
0x5c: {  	_ =	shalt  }
0x5d: {  	_ =	shalt  }
0x5e: {  	_ =	shalt  }
0x5f: {  	_ =	shalt  }
0x60: {  	_ =	shalt  }
0x61: {  	_ =	shalt  }
0x62: {  	_ =	shalt  }
0x63: {  	_ =	shalt  }
0x64: {  	_ =	shalt  }
0x65: {  	_ =	shalt  }
0x66: {  	_ =	shalt  }
0x67: {  	_ =	shalt  }
0x68: {  	_ =	shalt  }
0x69: {  	_ =	shalt  }
0x6a: {  	_ =	shalt  }
0x6b: {  	_ =	shalt  }
0x6c: {  	_ =	shalt  }
0x6d: {  	_ =	shalt  }
0x6e: {  	_ =	shalt  }
0x6f: {  	_ =	shalt  }
0x70: {  	_ =	shalt  }
0x71: {  	_ =	shalt  }
0x72: {  	_ =	shalt  }
0x73: {  	_ =	shalt  }
0x74: {  	_ =	shalt  }
0x75: {  	_ =	shalt  }
0x76: {  	_ =	shalt  }
0x77: {  	_ =	shalt  }
0x78: {  	_ =	shalt  }
0x79: {  	_ =	shalt  }
0x7a: {  	_ =	shalt  }
0x7b: {  	_ =	shalt  }
0x7c: {  	_ =	shalt  }
0x7d: {  	_ =	shalt  }
0x7e: {  	_ =	shalt  }
0x7f: {  	_ =	shalt  }
0x80: {  	_ =	shalt  }
0x81: {  	_ =	shalt  }
0x82: {  	_ =	shalt  }
0x83: {  	_ =	shalt  }
0x84: {  	_ =	shalt  }
0x85: {  	_ =	shalt  }
0x86: {  	_ =	shalt  }
0x87: {  	_ =	shalt  }
.Lfunc_end0:
.L_simem_size_0:
called_computation_lowered:
.L_overlay_start_0:
0x88: {  	s2 =	sld [smem:$0x3FD9]  }
0x89: {  	s3 =	sld [smem:$0x3FFE];
	_ =	sdelay $0x1  }
0x8a: {  	s1 =	srdreg.scid  }
0x8b: {  	s0 =	sand.u32 $0x1, s1  }
0x8c: {  	s18 =	sshll.u32 s0, $0xA;
	s2 =	sadd.s32 s3, s2  }
0x8d: {  	s2 =	sadd.s32 s2, s18  }
0x8e: {  	[smem:$0x3FC6] =	sst s2  }
0x8f: {  	_ = 	snop  }
0x90: {  	s2 =	sld [smem:$0x3FC9]  }
0x91: {  	s19 =	sld [smem:$0x3FC8]  }
0x92: {  	s4 =	sld [smem:$0x3FD0];
	(tm) =	ssettm $0x1  }
0x93: {  	s5 =	sld [smem:$0x3FFB];
	_ =	sdelay $0x3  }
0x94: {  	_ =	strace s5  }
0x95: {  	s5 =	sld [smem:$0x3FFC];
	_ =	sdelay $0x3  }
0x96: {  	_ =	strace s5  }
0x97: {  	s5 =	sld [smem:$0x3FFD];
	_ =	sdelay $0x3  }
0x98: {  	_ =	strace s5  }
0x99: {  	_ =	strace $0x8FFFFFFF  }
0x9a: {  	s20 =	sld [smem:$0x3FDB];
	_ =	sdelay $0x1  }
0x9b: {  	s6 =	simm.s32 $_scs_section_size  }
0x9c: {  	s7 =	simm.s32 $_size__tile_overlayer_lowered;
	s8 =	simm.s32 $_tile_overlayer_lowered  }
0x9d: {  	s23 =	simm.s32 $0x1BFF;
	s22 =	sshll.u32 s8, $0x1;
	s5 =	sadd.s32 s6, s20  }
0x9e: {  	s9 =	simm.s32 $0x0;
	s21 =	sshll.u32 s7, $0x1;
	s7 =	sadd.s32 s22, s5  }
0x9f: {  	[timem:s9], [sflag:s23] =	dma.local [hbm:s7], s21  }
0xa0: {  	_ =	swait.ge [sflag:s23], s21  }
0xa1: {  	s6 =	ssub.s32 $0x0, s21;
	[sflag:s23] =	ssyncset.done $0x0  }
0xa2: {  	[sflag:s23] =	ssyncadd.s32 s6;
	_ =	sdelay $0x1  }
0xa3: {  	s24 =	simm.s32 $0x1B8B  }
0xa4: {  	_ =	swait.ge [sflag:s24], $0x1  }
0xa5: {  	[sflag:s24] =	ssyncset.done $0x0  }
0xa6: {  	s25 =	simm.s32 $0x1B8E;
	[sflag:s24] =	ssyncadd.s32 $0xFFFFFFFF  }
0xa7: {  	s26 =	simm.s32 $execute0_lowered;
	[smem:$0x3FD2] =	sst s25  }
0xa8: {  	s6 =	sshll.u32 s26, $0x1;
	_ =	strace $0x80000046;
	[dreg:$0x1] =	wrdreg $0xFFFFFFFF  }
0xa9: {  	s28 =	simm.s32 $_size_execute0_lowered;
	s5 =	sadd.s32 s5, s6;
	[dreg:$0x0] =	wrdreg $0x0  }
0xaa: {  	s6 =	sshll.u32 s28, $0x1;
	[dreg:$0x2] =	wrdreg s5  }
0xab: {  	[dreg:$0x3] =	wrdreg s6  }
0xac: {  	[dreg:$0x4] =	wrdreg $0xC0  }
0xad: {  	_ =	task [dreg:s9], $0x5FFFF  }
0xae: {  	[dreg:$0x1] =	wrdreg $0xFFFFFFFF  }
0xaf: {  	[dreg:$0x0] =	wrdreg $0x60  }
0xb0: {  	[dreg:$0x2] =	wrdreg s2  }
0xb1: {  	[dreg:$0x3] =	wrdreg s19  }
0xb2: {  	[dreg:$0x4] =	wrdreg s4  }
0xb3: {  	[dreg:$0x5] =	wrdreg $0x142800  }
0xb4: {  	[dreg:$0x6] =	wrdreg $0x9  }
0xb5: {  	_ =	task.clear_ibuf [dreg:s9], $0x7FFFF;
	_ =	strace $0x90000046  }
0xb6: {  	s29 =	simm.s32 $0x9;
	_ =	strace $0x80000048  }
0xb7: {  	_ =	swait.ge [sflag:s29], $0x1  }
0xb8: {  	[sflag:s29] =	ssyncadd.s32 $0xFFFFFFFF  }
0xb9: {  	_ =	strace $0x90000048  }
0xba: {  	_ =	sfence  }
0xbb: {  	s30 =	sld [smem:$0x0];
	_ =	sdelay $0x2  }
0xbc: {  	s31 =	sshll.u32 s1, $0xD;
	s1 =	sshrl.u32 s1, $0x2  }
0xbd: {  	s3 =	sand.u32 $0x4000, s31;
	s1 =	sadd.s32 s1, s30  }
0xbe: {  	s0 =	sor.u32 s3, s0;
	s1 =	sshll.u32 s1, $0x11  }
0xbf: {  	s0 =	sor.u32 s1, s0  }
0xc0: {  	s0 =	sadd.s32 $0x8F2B, s0  }
0xc1: {  	[sflag:s0] =	ssyncadd.remote.s32 $0x1  }
0xc2: {  	_ =	sfence.sel $0xFFFF  }
0xc3: {  	[dreg:$0x0] =	wrdreg $0xFFFFFFFF;
	(pc) =	sbr.abs _section_cstart, $3  }
0xc4: {  	[dreg:$0x1] =	wrdreg $0xFFFFFFFF  }
0xc5: {  	_ =	task.clear_ibuf [dreg:s9], $0x2FFFF;
	_ =	strace $0x9FFFFFFF  }
0xc6: {  	(tm) =	ssettm $0x7FFFFFFF  }
0xc7: {  	_ =	shalt  }
tec
execute0_lowered:
.L_overlay_start_1:
0x0: {  	(tag) =	ssettag $0x1  }
0x1: {  	s0 =	srdreg.scid;
	s5 =	stileid.u32  }
0x2: {  	s4 =	rddreg [dreg:$0x0];
	s31 =	sand.u32 $0x1, s0;
	s23 =	sshll.u32 s5, $0x1  }
0x3: {  	s1 =	rddreg [dreg:$0x1];
	s7 =	sor.u32 s31, s23  }
0x4: {  	s2 =	rddreg [dreg:$0x3];
	s3 =	simm.s32 $0x0;
	s8 =	smul.u32 $0x280, s7  }
0x5: {  	[smem:$0x7FF] =	sst s3;
	p0 =	sne.s32 s5, $0x0;
	s9 =	smul.u32 $0x1400, s7  }
0x6: {  	s6 =	rddreg [dreg:$0x2];
	_ =	strace $0x80000047;
	s5 =	sshrl.u32 @!p0 s2, $0x3  }
0x7: {  	[dreg:$0x11] =	wrdreg s5;
	s10 =	sand.u32 $0x6000, s8;
	s9 =	sand.u32 $0x1C00, s9  }
0x8: {  	s11 =	sshrl.u32 s8, $0x3;
	s12 =	sadd.s32 $0x80, s8;
	s16 =	sadd.s32 $0x180, s8  }
0x9: {  	s9 =	sor.u32 s9, s10;
	s24 =	sand.u32 $0x380, s11;
	s25 =	sshll.u32 s12, $0x3  }
0xa: {  	s13 =	sand.u32 $0xE000, s12;
	s12 =	sshrl.u32 s12, $0x3;
	s18 =	sshll.u32 s16, $0x3  }
0xb: {  	s19 =	sand.u32 $0xE000, s16;
	s11 =	sand.u32 $0x1C00, s25;
	s9 =	sor.u32 s24, s9  }
0xc: {  	s0 =	sand.u32 $0x380, s12;
	s12 =	sadd.s32 $0x100, s8;
	s24 =	smul.u32 $0x2800, s7  }
0xd: {  	s8 =	sadd.s32 $0x200, s8;
	s7 =	smul.u32 $0x14000, s7;
	s26 =	sor.u32 s13, s11  }
0xe: {  	s9 =	sshrl.u32 s9, $0x3;
	s14 =	sshll.u32 s12, $0x3;
	s15 =	sand.u32 $0xE000, s12  }
0xf: {  	s11 =	sshrl.u32 s12, $0x3;
	s12 =	sshrl.u32 s16, $0x3;
	s22 =	sshll.u32 s8, $0x3  }
0x10: {  	s23 =	sand.u32 $0xE000, s8;
	s8 =	sshrl.u32 s8, $0x3;
	s10 =	sor.u32 s0, s26  }
0x11: {  	s9 =	sadd.s32 s4, s9;
	s11 =	sand.u32 $0x380, s11;
	s20 =	sand.u32 $0x380, s12  }
0x12: {  	s8 =	sand.u32 $0x380, s8;
	s12 =	simm.s32 $0x180;
	[dreg:$0x5] =	wrdreg s9  }
0x13: {  	s7 =	sshrl.u32 s7, $0x3;
	s10 =	sshrl.u32 s10, $0x3;
	[dreg:$0x14] =	wrdreg s12  }
0x14: {  	s13 =	sadd.s32 s4, s10;
	s10 =	sand.u32 $0x1C00, s14;
	s14 =	simm.s32 $0xA0  }
0x15: {  	s10 =	sor.u32 s15, s10;
	[dreg:$0x6] =	wrdreg s13;
	s13 =	simm.s32 $0x200  }
0x16: {  	[dreg:$0x16] =	wrdreg s14;
	s17 =	sor.u32 s11, s10;
	s10 =	sand.u32 $0x1C00, s18  }
0x17: {  	s15 =	simm.s32 $0xF0;
	[dreg:$0x15] =	wrdreg s13;
	s10 =	sor.u32 s19, s10  }
0x18: {  	s11 =	simm.s32 $0x100;
	[dreg:$0x17] =	wrdreg s15;
	s10 =	sor.u32 s20, s10  }
0x19: {  	s9 =	sshrl.u32 s17, $0x3;
	s21 =	sshrl.u32 s10, $0x3;
	s10 =	sand.u32 $0x1C00, s22  }
0x1a: {  	[dreg:$0x13] =	wrdreg s11;
	s9 =	sadd.s32 s4, s9;
	s10 =	sor.u32 s23, s10  }
0x1b: {  	[dreg:$0x7] =	wrdreg s9;
	s9 =	sadd.s32 s4, s21;
	s8 =	sor.u32 s8, s10  }
0x1c: {  	[dreg:$0x8] =	wrdreg s9;
	s10 =	simm.s32 $0x80;
	s8 =	sshrl.u32 s8, $0x3  }
0x1d: {  	[dreg:$0x12] =	wrdreg s10;
	s8 =	sadd.s32 s4, s8;
	s4 =	sadd.s32 s6, s24  }
0x1e: {  	s6 =	sadd.s32 s6, s7;
	[dreg:$0x9] =	wrdreg s8;
	s25 =	sadd.s32 $0x500, s4  }
0x1f: {  	s7 =	sadd.s32 $0xA00, s6;
	[dreg:$0xa] =	wrdreg s25  }
0x20: {  	s26 =	sadd.s32 $0xF00, s6;
	[dreg:$0xb] =	wrdreg s7  }
0x21: {  	s0 =	sadd.s32 $0x1400, s6;
	[dreg:$0xc] =	wrdreg s26  }
0x22: {  	s8 =	sadd.s32 $0x1900, s6;
	[dreg:$0xd] =	wrdreg s0  }
0x23: {  	s9 =	sadd.s32 $0x1E00, s6;
	[dreg:$0xe] =	wrdreg s8  }
0x24: {  	s6 =	sadd.s32 $0x2300, s6;
	[dreg:$0xf] =	wrdreg s9  }
0x25: {  	[dreg:$0x10] =	wrdreg s6  }
0x26: {  	s6 =	rddreg [dreg:$0x11];
	s0 =	simm.s32 @!p0 $0x1C0A  }
0x27: {  	[spmem:s6], [sflag:s0] =	dma.local @!p0 [hbm:s1], $0x3E80  }
0x28: {  	s16 =	rddreg [dreg:$0x15]  }
0x29: {  	s6 =	rddreg [dreg:$0x8]  }
0x2a: {  	s17 =	rddreg [dreg:$0x12]  }
0x2b: {  	s18 =	rddreg [dreg:$0x5]  }
0x2c: {  	s19 =	rddreg [dreg:$0x13]  }
0x2d: {  	[tilespmem:s3], [sflag:$0xB] =	stream.linear.gather [hbm4b:s18+s3], $0x80, $0x38;
	[tilespmem:$0x161C0] =	vst v63  }
0x2e: {  	s20 =	rddreg [dreg:$0x6]  }
0x2f: {  	[tilespmem:s17], [sflag:$0xB] =	stream.linear.gather [hbm4b:s20+s3], $0x80, $0x38;
	[tilespmem:$0x161C0] =	vst v63  }
0x30: {  	s21 =	rddreg [dreg:$0x7]  }
0x31: {  	[tilespmem:s19], [sflag:$0xB] =	stream.linear.gather [hbm4b:s21+s3], $0x80, $0x38;
	[tilespmem:$0x161C0] =	vst v63  }
0x32: {  	s22 =	rddreg [dreg:$0x14]  }
0x33: {  	[tilespmem:s22], [sflag:$0xB] =	stream.linear.gather [hbm4b:s6+s3], $0x80, $0x38;
	[tilespmem:$0x161C0] =	vst v63  }
0x34: {  	s23 =	rddreg [dreg:$0x9];
	s6 =	simm.s32 $0xB  }
0x35: {  	[tilespmem:s16], [sflag:$0xB] =	stream.linear.gather [hbm4b:s23+s3], $0x80, $0x38;
	[tilespmem:$0x161C0] =	vst v63  }
0x36: {  	_ =	swait.ge [sflag:s6], $0x80  }
0x37: {  	[sflag:s6] =	ssyncset.done $0x0  }
0x38: {  	[sflag:s6] =	ssyncadd.s32 $0xFFFFFF80  }
0x39: {  	_ =	swait.ge [sflag:s6], $0x80  }
0x3a: {  	[sflag:s6] =	ssyncset.done $0x0  }
0x3b: {  	[sflag:s6] =	ssyncadd.s32 $0xFFFFFF80  }
0x3c: {  	_ =	swait.ge [sflag:s6], $0x80  }
0x3d: {  	[sflag:s6] =	ssyncset.done $0x0  }
0x3e: {  	[sflag:s6] =	ssyncadd.s32 $0xFFFFFF80  }
0x3f: {  	_ =	swait.ge [sflag:s6], $0x80  }
0x40: {  	[sflag:s6] =	ssyncset.done $0x0  }
0x41: {  	[sflag:s6] =	ssyncadd.s32 $0xFFFFFF80  }
0x42: {  	_ =	swait.ge [sflag:s6], $0x80  }
0x43: {  	s7 =	simm.s32 $0x50;
	[sflag:s6] =	ssyncset.done $0x0  }
0x44: {  	s8 =	simm.s32 $0x280;
	s9 =	simm.s32 @!p0 $0xA;
	[sflag:s6] =	ssyncadd.s32 $0xFFFFFF80  }
0x45: {  	[tilespmem:s8], [sflag:$0x1] =	stream.indirect.gather [hbm4b:s1+s7], $0x80, s3, s7, $0xb8;
	[tilespmem:$0x161C0] =	vst v63  }
0x46: {  	_ =	swait.ge @!p0 [sflag:s9], $0x3E80  }
0x47: {  	[sflag:s9] =	ssyncset.done @!p0 $0x0  }
0x48: {  	[sflag:s9] =	ssyncadd.s32 @!p0 $0xFFFFC180  }
0x49: {  	s10 =	simm.s32 $0x2A80;
	[bflag:$0x0] =	sbarrier.arrive $0xFFFF  }
0x4a: {  	[tilespmem:s10], [sflag:$0x2] =	stream.indirect.gather [spmem:s2], $0x80, s7, s7, $0xb8;
	[tilespmem:$0x161C0] =	vst v63  }
0x4b: {  	s11 =	simm.s32 $0x5280;
	s24 =	rddreg [dreg:$0x16]  }
0x4c: {  	[tilespmem:s11], [sflag:$0x3] =	stream.indirect.gather [spmem:s2], $0x80, s24, s7, $0xb8;
	[tilespmem:$0x161C0] =	vst v63  }
0x4d: {  	s12 =	simm.s32 $0x7A80;
	s25 =	rddreg [dreg:$0x17]  }
0x4e: {  	[tilespmem:s12], [sflag:$0x4] =	stream.indirect.gather [spmem:s2], $0x80, s25, s7, $0xb8;
	[tilespmem:$0x161C0] =	vst v63  }
0x4f: {  	s14 =	simm.s32 $0xA280;
	s26 =	simm.s32 $0x140  }
0x50: {  	[tilespmem:s14], [sflag:$0x5] =	stream.indirect.gather [spmem:s2], $0x80, s26, s7, $0xb8;
	[tilespmem:$0x161C0] =	vst v63  }
0x51: {  	s5 =	simm.s32 $0x190;
	s16 =	simm.s32 $0xCA80  }
0x52: {  	[tilespmem:s16], [sflag:$0x6] =	stream.indirect.gather [spmem:s2], $0x80, s5, s7, $0xb8;
	[tilespmem:$0x161C0] =	vst v63  }
0x53: {  	s13 =	simm.s32 $0x1E0;
	s18 =	simm.s32 $0xF280  }
0x54: {  	[tilespmem:s18], [sflag:$0x7] =	stream.indirect.gather [spmem:s2], $0x80, s13, s7, $0xb8;
	[tilespmem:$0x161C0] =	vst v63  }
0x55: {  	s15 =	simm.s32 $0x230;
	s20 =	simm.s32 $0x11A80;
	s21 =	simm.s32 $0x1  }
0x56: {  	[tilespmem:s20], [sflag:$0x8] =	stream.indirect.gather [spmem:s2], $0x80, s15, s7, $0xb8;
	[tilespmem:$0x161C0] =	vst v63  }
0x57: {  	_ =	swait.ge [sflag:s21], $0x2800  }
0x58: {  	[sflag:s21] =	ssyncset.done $0x0  }
0x59: {  	s22 =	simm.s32 $0x2;
	[sflag:s21] =	ssyncadd.s32 $0xFFFFD800  }
0x5a: {  	[hbm4b:s4+s3] =	stream.linear.scatter [tilespmem:s8], [sflag:$0x9], $0x2800, $0x38;
	[tilespmem:$0x161C0] =	vst v63  }
0x5b: {  	_ =	swait.ge [sflag:s22], $0x2800  }
0x5c: {  	[sflag:s22] =	ssyncset.done $0x0  }
0x5d: {  	s23 =	simm.s32 $0x3;
	s24 =	rddreg [dreg:$0xa];
	[sflag:s22] =	ssyncadd.s32 $0xFFFFD800  }
0x5e: {  	[hbm4b:s24+s3] =	stream.linear.scatter [tilespmem:s10], [sflag:$0x9], $0x2800, $0x38;
	[tilespmem:$0x161C0] =	vst v63  }
0x5f: {  	_ =	swait.ge [sflag:s23], $0x2800  }
0x60: {  	[sflag:s23] =	ssyncset.done $0x0  }
0x61: {  	s24 =	simm.s32 $0x4;
	s17 =	rddreg [dreg:$0xb];
	[sflag:s23] =	ssyncadd.s32 $0xFFFFD800  }
0x62: {  	[hbm4b:s17+s3] =	stream.linear.scatter [tilespmem:s11], [sflag:$0x9], $0x2800, $0x38;
	[tilespmem:$0x161C0] =	vst v63  }
0x63: {  	_ =	swait.ge [sflag:s24], $0x2800  }
0x64: {  	[sflag:s24] =	ssyncset.done $0x0  }
0x65: {  	s25 =	rddreg [dreg:$0xc];
	[sflag:s24] =	ssyncadd.s32 $0xFFFFD800  }
0x66: {  	[hbm4b:s25+s3] =	stream.linear.scatter [tilespmem:s12], [sflag:$0x9], $0x2800, $0x38;
	[tilespmem:$0x161C0] =	vst v63  }
0x67: {  	s25 =	simm.s32 $0x5  }
0x68: {  	_ =	swait.ge [sflag:s25], $0x2800  }
0x69: {  	[sflag:s25] =	ssyncset.done $0x0  }
0x6a: {  	s26 =	rddreg [dreg:$0xd];
	[sflag:s25] =	ssyncadd.s32 $0xFFFFD800  }
0x6b: {  	[hbm4b:s26+s3] =	stream.linear.scatter [tilespmem:s14], [sflag:$0x9], $0x2800, $0x38;
	[tilespmem:$0x161C0] =	vst v63  }
0x6c: {  	s26 =	simm.s32 $0x6  }
0x6d: {  	_ =	swait.ge [sflag:s26], $0x2800  }
0x6e: {  	[sflag:s26] =	ssyncset.done $0x0  }
0x6f: {  	s28 =	rddreg [dreg:$0xe];
	[sflag:s26] =	ssyncadd.s32 $0xFFFFD800  }
0x70: {  	[hbm4b:s28+s3] =	stream.linear.scatter [tilespmem:s16], [sflag:$0x9], $0x2800, $0x38;
	[tilespmem:$0x161C0] =	vst v63  }
0x71: {  	s28 =	simm.s32 $0x7  }
0x72: {  	_ =	swait.ge [sflag:s28], $0x2800  }
0x73: {  	[sflag:s28] =	ssyncset.done $0x0  }
0x74: {  	s29 =	rddreg [dreg:$0xf];
	[sflag:s28] =	ssyncadd.s32 $0xFFFFD800  }
0x75: {  	[hbm4b:s29+s3] =	stream.linear.scatter [tilespmem:s18], [sflag:$0x9], $0x2800, $0x38;
	[tilespmem:$0x161C0] =	vst v63  }
0x76: {  	s29 =	simm.s32 $0x8  }
0x77: {  	_ =	swait.ge [sflag:s29], $0x2800  }
0x78: {  	[sflag:s29] =	ssyncset.done $0x0  }
0x79: {  	s30 =	rddreg [dreg:$0x10];
	[sflag:s29] =	ssyncadd.s32 $0xFFFFD800  }
0x7a: {  	[hbm4b:s30+s3] =	stream.linear.scatter [tilespmem:s20], [sflag:$0x9], $0x2800, $0x38;
	[tilespmem:$0x161C0] =	vst v63  }
0x7b: {  	s30 =	simm.s32 $0x9  }
0x7c: {  	_ =	swait.ge [sflag:s30], $0x2800  }
0x7d: {  	[sflag:s30] =	ssyncset.done $0x0  }
0x7e: {  	[sflag:s30] =	ssyncadd.s32 $0xFFFFD800  }
0x7f: {  	_ =	swait.ge [sflag:s30], $0x2800  }
0x80: {  	[sflag:s30] =	ssyncset.done $0x0  }
0x81: {  	[sflag:s30] =	ssyncadd.s32 $0xFFFFD800  }
0x82: {  	_ =	swait.ge [sflag:s30], $0x2800  }
0x83: {  	[sflag:s30] =	ssyncset.done $0x0  }
0x84: {  	s31 =	ssub.s32 $0x2, s31;
	[sflag:s30] =	ssyncadd.s32 $0xFFFFD800  }
0x85: {  	s19 =	sshrl.u32 s31, $0x1;
	_ =	swait.ge [sflag:s30], $0x2800  }
0x86: {  	s0 =	ssub.s32 s31, s19;
	[sflag:s30] =	ssyncset.done $0x0  }
0x87: {  	s0 =	smax.u32 s0, $0x1;
	[sflag:s30] =	ssyncadd.s32 $0xFFFFD800  }
0x88: {  	s31 =	sadd.s32 $0xFFFFFFFF, s0;
	_ =	swait.ge [sflag:s30], $0x2800  }
0x89: {  	p1 =	sne.s32 s31, $0x0;
	[sflag:s30] =	ssyncset.done $0x0  }
.Ltmp0:
0x8a: {  	[sflag:s30] =	ssyncadd.s32 $0xFFFFD800;
	(pc) =	sbr.rel @!p1 .LBB2_2-.Ltmp0, $4  }
0x8b: {  	_ =	swait.ge [sflag:s30], $0x2800  }
0x8c: {  	[sflag:s30] =	ssyncset.done $0x0  }
0x8d: {  	[sflag:s30] =	ssyncadd.s32 $0xFFFFD800  }
0x8e: {  	_ =	swait.ge [sflag:s30], $0x2800  }
.LBB2_1:
0x8f: {  	[sflag:s30] =	ssyncset.done $0x0  }
0x90: {  	[sflag:s30] =	ssyncadd.s32 $0xFFFFD800  }
0x91: {  	_ =	swait.ge [sflag:s30], $0x2800  }
0x92: {  	[sflag:s30] =	ssyncset.done $0x0  }
0x93: {  	s5 =	simm.s32 @!p0 $0x1C0A;
	s0 =	rddreg [dreg:$0x11];
	[sflag:s30] =	ssyncadd.s32 $0xFFFFD800  }
0x94: {  	[spmem:s0], [sflag:s5] =	dma.local @!p0 [hbm:s1], $0x3E80  }
0x95: {  	s0 =	rddreg [dreg:$0x15]  }
0x96: {  	s5 =	rddreg [dreg:$0x8]  }
0x97: {  	s13 =	rddreg [dreg:$0x12]  }
0x98: {  	s15 =	rddreg [dreg:$0x5]  }
0x99: {  	s17 =	rddreg [dreg:$0x13]  }
0x9a: {  	[tilespmem:s3], [sflag:$0xB] =	stream.linear.gather [hbm4b:s15+s3], $0x80, $0x38;
	[tilespmem:$0x161C0] =	vst v63  }
0x9b: {  	s19 =	rddreg [dreg:$0x6]  }
0x9c: {  	[tilespmem:s13], [sflag:$0xB] =	stream.linear.gather [hbm4b:s19+s3], $0x80, $0x38;
	[tilespmem:$0x161C0] =	vst v63  }
0x9d: {  	s15 =	rddreg [dreg:$0x7]  }
0x9e: {  	[tilespmem:s17], [sflag:$0xB] =	stream.linear.gather [hbm4b:s15+s3], $0x80, $0x38;
	[tilespmem:$0x161C0] =	vst v63  }
0x9f: {  	s13 =	rddreg [dreg:$0x14]  }
0xa0: {  	[tilespmem:s13], [sflag:$0xB] =	stream.linear.gather [hbm4b:s5+s3], $0x80, $0x38;
	[tilespmem:$0x161C0] =	vst v63  }
0xa1: {  	s19 =	rddreg [dreg:$0x9]  }
0xa2: {  	[tilespmem:s0], [sflag:$0xB] =	stream.linear.gather [hbm4b:s19+s3], $0x80, $0x38;
	[tilespmem:$0x161C0] =	vst v63  }
0xa3: {  	_ =	swait.ge [sflag:s6], $0x80  }
0xa4: {  	[sflag:s6] =	ssyncset.done $0x0  }
0xa5: {  	[sflag:s6] =	ssyncadd.s32 $0xFFFFFF80  }
0xa6: {  	_ =	swait.ge [sflag:s6], $0x80  }
0xa7: {  	[sflag:s6] =	ssyncset.done $0x0  }
0xa8: {  	[sflag:s6] =	ssyncadd.s32 $0xFFFFFF80  }
0xa9: {  	_ =	swait.ge [sflag:s6], $0x80  }
0xaa: {  	[sflag:s6] =	ssyncset.done $0x0  }
0xab: {  	[sflag:s6] =	ssyncadd.s32 $0xFFFFFF80  }
0xac: {  	_ =	swait.ge [sflag:s6], $0x80  }
0xad: {  	[sflag:s6] =	ssyncset.done $0x0  }
0xae: {  	[sflag:s6] =	ssyncadd.s32 $0xFFFFFF80  }
0xaf: {  	_ =	swait.ge [sflag:s6], $0x80  }
0xb0: {  	[sflag:s6] =	ssyncset.done $0x0  }
0xb1: {  	[sflag:s6] =	ssyncadd.s32 $0xFFFFFF80  }
0xb2: {  	[tilespmem:s8], [sflag:$0x1] =	stream.indirect.gather [hbm4b:s1+s7], $0x80, s3, s7, $0xb8;
	[tilespmem:$0x161C0] =	vst v63  }
0xb3: {  	_ =	swait.ge @!p0 [sflag:s9], $0x3E80  }
0xb4: {  	[sflag:s9] =	ssyncset.done @!p0 $0x0  }
0xb5: {  	[sflag:s9] =	ssyncadd.s32 @!p0 $0xFFFFC180  }
0xb6: {  	[bflag:$0x0] =	sbarrier.arrive $0xFFFF  }
0xb7: {  	[tilespmem:s10], [sflag:$0x2] =	stream.indirect.gather [spmem:s2], $0x80, s7, s7, $0xb8;
	[tilespmem:$0x161C0] =	vst v63  }
0xb8: {  	s15 =	rddreg [dreg:$0x16]  }
0xb9: {  	[tilespmem:s11], [sflag:$0x3] =	stream.indirect.gather [spmem:s2], $0x80, s15, s7, $0xb8;
	[tilespmem:$0x161C0] =	vst v63  }
0xba: {  	s17 =	rddreg [dreg:$0x17]  }
0xbb: {  	[tilespmem:s12], [sflag:$0x4] =	stream.indirect.gather [spmem:s2], $0x80, s17, s7, $0xb8;
	[tilespmem:$0x161C0] =	vst v63  }
0xbc: {  	s19 =	simm.s32 $0x140  }
0xbd: {  	[tilespmem:s14], [sflag:$0x5] =	stream.indirect.gather [spmem:s2], $0x80, s19, s7, $0xb8;
	[tilespmem:$0x161C0] =	vst v63  }
0xbe: {  	s5 =	simm.s32 $0x190  }
0xbf: {  	[tilespmem:s16], [sflag:$0x6] =	stream.indirect.gather [spmem:s2], $0x80, s5, s7, $0xb8;
	[tilespmem:$0x161C0] =	vst v63  }
0xc0: {  	s13 =	simm.s32 $0x1E0  }
0xc1: {  	[tilespmem:s18], [sflag:$0x7] =	stream.indirect.gather [spmem:s2], $0x80, s13, s7, $0xb8;
	[tilespmem:$0x161C0] =	vst v63  }
0xc2: {  	s15 =	simm.s32 $0x230  }
0xc3: {  	[tilespmem:s20], [sflag:$0x8] =	stream.indirect.gather [spmem:s2], $0x80, s15, s7, $0xb8;
	[tilespmem:$0x161C0] =	vst v63  }
0xc4: {  	_ =	swait.ge [sflag:s21], $0x2800  }
0xc5: {  	[sflag:s21] =	ssyncset.done $0x0  }
0xc6: {  	[sflag:s21] =	ssyncadd.s32 $0xFFFFD800  }
0xc7: {  	[hbm4b:s4+s3] =	stream.linear.scatter [tilespmem:s8], [sflag:$0x9], $0x2800, $0x38;
	[tilespmem:$0x161C0] =	vst v63  }
0xc8: {  	_ =	swait.ge [sflag:s22], $0x2800  }
0xc9: {  	[sflag:s22] =	ssyncset.done $0x0  }
0xca: {  	s17 =	rddreg [dreg:$0xa];
	[sflag:s22] =	ssyncadd.s32 $0xFFFFD800  }
0xcb: {  	[hbm4b:s17+s3] =	stream.linear.scatter [tilespmem:s10], [sflag:$0x9], $0x2800, $0x38;
	[tilespmem:$0x161C0] =	vst v63  }
0xcc: {  	_ =	swait.ge [sflag:s23], $0x2800  }
0xcd: {  	[sflag:s23] =	ssyncset.done $0x0  }
0xce: {  	s19 =	rddreg [dreg:$0xb];
	[sflag:s23] =	ssyncadd.s32 $0xFFFFD800  }
0xcf: {  	[hbm4b:s19+s3] =	stream.linear.scatter [tilespmem:s11], [sflag:$0x9], $0x2800, $0x38;
	[tilespmem:$0x161C0] =	vst v63  }
0xd0: {  	_ =	swait.ge [sflag:s24], $0x2800  }
0xd1: {  	[sflag:s24] =	ssyncset.done $0x0  }
0xd2: {  	s5 =	rddreg [dreg:$0xc];
	[sflag:s24] =	ssyncadd.s32 $0xFFFFD800  }
0xd3: {  	[hbm4b:s5+s3] =	stream.linear.scatter [tilespmem:s12], [sflag:$0x9], $0x2800, $0x38;
	[tilespmem:$0x161C0] =	vst v63  }
0xd4: {  	_ =	swait.ge [sflag:s25], $0x2800  }
0xd5: {  	[sflag:s25] =	ssyncset.done $0x0  }
0xd6: {  	s13 =	rddreg [dreg:$0xd];
	[sflag:s25] =	ssyncadd.s32 $0xFFFFD800  }
0xd7: {  	[hbm4b:s13+s3] =	stream.linear.scatter [tilespmem:s14], [sflag:$0x9], $0x2800, $0x38;
	[tilespmem:$0x161C0] =	vst v63  }
0xd8: {  	_ =	swait.ge [sflag:s26], $0x2800  }
0xd9: {  	[sflag:s26] =	ssyncset.done $0x0  }
0xda: {  	s15 =	rddreg [dreg:$0xe];
	[sflag:s26] =	ssyncadd.s32 $0xFFFFD800  }
0xdb: {  	[hbm4b:s15+s3] =	stream.linear.scatter [tilespmem:s16], [sflag:$0x9], $0x2800, $0x38;
	[tilespmem:$0x161C0] =	vst v63  }
0xdc: {  	_ =	swait.ge [sflag:s28], $0x2800  }
0xdd: {  	[sflag:s28] =	ssyncset.done $0x0  }
0xde: {  	s17 =	rddreg [dreg:$0xf];
	[sflag:s28] =	ssyncadd.s32 $0xFFFFD800  }
0xdf: {  	[hbm4b:s17+s3] =	stream.linear.scatter [tilespmem:s18], [sflag:$0x9], $0x2800, $0x38;
	[tilespmem:$0x161C0] =	vst v63  }
0xe0: {  	_ =	swait.ge [sflag:s29], $0x2800  }
0xe1: {  	[sflag:s29] =	ssyncset.done $0x0  }
0xe2: {  	s19 =	rddreg [dreg:$0x10];
	[sflag:s29] =	ssyncadd.s32 $0xFFFFD800  }
0xe3: {  	[hbm4b:s19+s3] =	stream.linear.scatter [tilespmem:s20], [sflag:$0x9], $0x2800, $0x38;
	[tilespmem:$0x161C0] =	vst v63  }
0xe4: {  	_ =	swait.ge [sflag:s30], $0x2800  }
0xe5: {  	[sflag:s30] =	ssyncset.done $0x0  }
0xe6: {  	[sflag:s30] =	ssyncadd.s32 $0xFFFFD800  }
0xe7: {  	_ =	swait.ge [sflag:s30], $0x2800  }
0xe8: {  	[sflag:s30] =	ssyncset.done $0x0  }
0xe9: {  	[sflag:s30] =	ssyncadd.s32 $0xFFFFD800  }
0xea: {  	_ =	swait.ge [sflag:s30], $0x2800  }
0xeb: {  	[sflag:s30] =	ssyncset.done $0x0  }
0xec: {  	[sflag:s30] =	ssyncadd.s32 $0xFFFFD800  }
0xed: {  	_ =	swait.ge [sflag:s30], $0x2800  }
0xee: {  	[sflag:s30] =	ssyncset.done $0x0  }
0xef: {  	[sflag:s30] =	ssyncadd.s32 $0xFFFFD800  }
0xf0: {  	s31 =	sadd.s32 $0xFFFFFFFF, s31;
	_ =	swait.ge [sflag:s30], $0x2800  }
0xf1: {  	p1 =	sne.s32 s31, $0x0;
	[sflag:s30] =	ssyncset.done $0x0  }
.Ltmp1:
0xf2: {  	[sflag:s30] =	ssyncadd.s32 $0xFFFFD800;
	(pc) =	sbr.rel @p1 .LBB2_1-.Ltmp1, $4  }
0xf3: {  	_ =	swait.ge [sflag:s30], $0x2800  }
0xf4: {  	[sflag:s30] =	ssyncset.done $0x0  }
0xf5: {  	[sflag:s30] =	ssyncadd.s32 $0xFFFFD800  }
0xf6: {  	_ =	swait.ge [sflag:s30], $0x2800  }
.LBB2_2:
0xf7: {  	[sflag:s30] =	ssyncset.done $0x0  }
0xf8: {  	[sflag:s30] =	ssyncadd.s32 $0xFFFFD800  }
0xf9: {  	_ =	swait.ge [sflag:s30], $0x2800  }
0xfa: {  	[sflag:s30] =	ssyncset.done $0x0  }
0xfb: {  	[sflag:s30] =	ssyncadd.s32 $0xFFFFD800  }
0xfc: {  	_ =	sfence.sel $0x180000  }
0xfd: {  	[bflag:$0x0] =	sbarrier.arrive $0xFFFF  }
0xfe: {  	_ =	strace $0x90000047  }
0xff: {  	[bflag:$0x2] =	sbarrier.arrive $0xFFFF  }
0x100: {  	s0 =	rddreg [dreg:$0x4]  }
0x101: {  	s0 =	sadd.s32 @!p0 $0x100000, s0  }
0x102: {  	[sflag:s0] =	ssyncadd.tile.s32 @!p0 $0x1;
	_ =	shalt  }
.Lfunc_end2:
_tile_overlayer_lowered:
.L_overlay_start_2:
0x103: {  	(tag) =	ssettag $0x2  }
0x104: {  	s0 =	rddreg [dreg:$0x0];
	s2 =	stileid.u32  }
0x105: {  	s1 =	rddreg [dreg:$0x1];
	p0 =	sne.s32 s2, $0x0  }
0x106: {  	s3 =	rddreg [dreg:$0x2];
	[bflag:$0x3] =	sbarrier.arrive $0xFFFF;
	s2 =	simm.s32 @!p0 $0x1C0C  }
0x107: {  	[timem:s3], [sflag:s2] =	dma.local @!p0 [hbm:s0], s1  }
0x108: {  	s0 =	simm.s32 @!p0 $0xC  }
0x109: {  	_ =	swait.ge @!p0 [sflag:s0], s1  }
0x10a: {  	s1 =	ssub.s32 @!p0 $0x0, s1;
	[sflag:s0] =	ssyncset.done @!p0 $0x0  }
0x10b: {  	[sflag:s0] =	ssyncadd.s32 @!p0 s1  }
0x10c: {  	[bflag:$0x3] =	sbarrier.arrive $0xFFFF  }
0x10d: {  	_ =	shalt  }

</sc_bundles>
